<compile_context>
chip_gen: v7x
topology: tpu7x:2x2x1
jax: 0.10.2.dev20260603
libtpu: 0.0.44.dev20260713+nightly
codegen_flags: <defaults>
</compile_context>

<pallas_src>
import functools

import jax
import jax.numpy as jnp
from jax import lax
from jax.experimental import pallas as pl
from jax.experimental.pallas import tpu as pltpu
from jax.experimental.pallas import tpu_sc as plsc

B = 16384
V = 1000
VP = 1024
D = 128
L = 16
NBLK = VP // D

_info = plsc.get_sparse_core_info()
NC = _info.num_cores
NS = _info.num_subcores
NW = NC * NS
BPW = B // NW
CH = 128
NCHUNK = BPW // CH

_EPS = 1e-12


def _tc_body(table_ref, g2_ref):
    t = table_ref[...]
    n = t * lax.rsqrt(jnp.maximum(jnp.sum(t * t, axis=1, keepdims=True), _EPS))
    npad = jnp.concatenate([n, jnp.zeros((VP - V, D), jnp.float32)], axis=0)
    for k in range(NBLK):
        rk = npad[k * D:(k + 1) * D, :]
        g2_ref[pl.ds(k * VP, V), :] = lax.dot_general(
            n, rk, (((1,), (1,)), ((), ())), preferred_element_type=jnp.float32
        )


_tc_kernel = pl.pallas_call(
    _tc_body,
    out_shape=jax.ShapeDtypeStruct((NBLK * VP, D), jnp.float32),
)


def _sc_body(center_hbm, context_hbm, gram_hbm, out_hbm, cidx, xidx, fidx, sims, sem,
             sem2):
    wid = lax.axis_index("s") * NC + lax.axis_index("c")
    base = wid * BPW

    stage = []
    for j in range(NCHUNK):
        stage.append(
            pltpu.async_copy(center_hbm.at[pl.ds(base + j * CH, CH)], cidx.at[j], sem2)
        )
        stage.append(
            pltpu.async_copy(context_hbm.at[pl.ds(base + j * CH, CH)], xidx.at[j], sem2)
        )
    for s in stage:
        s.wait()

    copies = []
    for j in range(NCHUNK):
        for g in range(CH // L):
            c = cidx[j, pl.ds(g * L, L)]
            x = xidx[j, pl.ds(g * L, L)]
            f = (
                lax.shift_left(lax.shift_right_logical(x, 7), 17)
                + lax.shift_left(c, 7)
                + (x & 127)
            )
            fidx[j, pl.ds(g * L, L)] = f
        copies.append(
            pltpu.async_copy(gram_hbm.at[fidx.at[j]], sims.at[pl.ds(j * CH, CH)], sem)
        )
    for c in copies:
        c.wait()

    pltpu.sync_copy(sims, out_hbm.at[pl.ds(base, BPW)])


_mesh = plsc.VectorSubcoreMesh(core_axis_name="c", subcore_axis_name="s")

_sc_kernel = functools.partial(
    pl.kernel,
    out_type=jax.ShapeDtypeStruct((B,), jnp.float32),
    mesh=_mesh,
    scratch_types=[
        pltpu.VMEM((NCHUNK, CH), jnp.int32),
        pltpu.VMEM((NCHUNK, CH), jnp.int32),
        pltpu.VMEM((NCHUNK, CH), jnp.int32),
        pltpu.VMEM((BPW,), jnp.float32),
        pltpu.SemaphoreType.DMA,
        pltpu.SemaphoreType.DMA,
    ],
    compiler_params=pltpu.CompilerParams(
        skip_device_barrier=True,
        disable_bounds_checks=True,
    ),
)(_sc_body)


def kernel(center, context, embedding_table):
    gram2 = _tc_kernel(embedding_table)
    sims = _sc_kernel(center, context, gram2.reshape(NBLK * VP * D))
    return sims.reshape(B, 1)

# --- scband reference (transcript-rebuilt; emitter-appended) ---
"""Pipeline reference for scband-word2-vec-9895604650510 (READ-ONLY COPY).

The authoritative reference and input builder live on the scoring server;
editing this copy changes nothing except your own understanding.
"""

import jax, jax.numpy as jnp
import numpy as np

B = 16384
VOCAB = 1000
D = 128


def _l2_normalize(x, eps=1e-12):
    # matches tf.nn.l2_normalize used by keras Dot(normalize=True)
    return x * jax.lax.rsqrt(jnp.maximum(jnp.sum(x * x, axis=1, keepdims=True), eps))


def setup_inputs(seed: int = 0) -> dict:
    key = jax.random.key(seed)
    k1, k2, k3 = jax.random.split(key, 3)
    center = jax.random.randint(k1, (B,), 0, VOCAB, dtype=jnp.int32)
    context = jax.random.randint(k2, (B,), 0, VOCAB, dtype=jnp.int32)
    # learned parameter: the shared word embedding table
    embedding_table = jax.random.normal(k3, (VOCAB, D), dtype=jnp.float32) * 0.05
    return {"center": center, "context": context, "embedding_table": embedding_table}


def reference(center, context, embedding_table):
    # Embedding lookups (shared table for center and context words)
    center_emb = jnp.take(embedding_table, center, axis=0)   # [B, D]
    context_emb = jnp.take(embedding_table, context, axis=0)  # [B, D]
    # Dot(axes=1, normalize=True) -> cosine similarity, shape [B, 1]
    cn = _l2_normalize(center_emb)
    xn = _l2_normalize(context_emb)
    sim = jnp.sum(cn * xn, axis=1, keepdims=True)
    return sim

if __name__ == "__main__":
    import jax
    _d = setup_inputs()
    print(jax.jit(kernel)(*tuple(_d.values())))

</pallas_src>

<mosaic_0001>
#map = affine_map<(d0, d1) -> (0)>
module attributes {stable_mosaic.version = 14 : i64} {
  func.func @_sc_body(%arg0: i32, %arg1: i32, %arg2: memref<16384xi32, #tpu.memory_space<hbm>>, %arg3: memref<16384xi32, #tpu.memory_space<hbm>>, %arg4: memref<1048576xf32, #tpu.memory_space<hbm>>, %arg5: memref<16384xf32, #tpu.memory_space<hbm>>, %arg6: memref<4x128xi32, #tpu.memory_space<vmem>>, %arg7: memref<4x128xi32, #tpu.memory_space<vmem>>, %arg8: memref<4x128xi32, #tpu.memory_space<vmem>>, %arg9: memref<512xf32, #tpu.memory_space<vmem>>, %arg10: memref<!tpu.dma_semaphore, #tpu.memory_space<semaphore_mem>>, %arg11: memref<!tpu.dma_semaphore, #tpu.memory_space<semaphore_mem>>) attributes {dimension_semantics = [#tpu.dimension_semantics<core_parallel>, #tpu.dimension_semantics<subcore_parallel>], iteration_bounds = array<i64: 2, 16>, scalar_prefetch = 0 : i64, scratch_operands = 6 : i64, tpu.core_type = #tpu.core_type<sc_vector_subcore>, window_params = [{transform_indices = #map}, {transform_indices = #map}, {transform_indices = #map}, {transform_indices = #map}]} {
    %mul3A = arith.constant 2 : i32
    %mul3A_0 = arith.muli %arg1, %mul3A : i32
    %add3A = arith.addi %mul3A_0, %arg0 : i32
    %mul3A_1 = arith.constant 512 : i32
    %mul3A_2 = arith.muli %add3A, %mul3A_1 : i32
    %add3A_3 = arith.constant 0 : i32
    %add3A_4 = arith.addi %mul3A_2, %add3A_3 : i32
    %dma_start3A = arith.constant 0 : i32
    %dma_start3A_5 = arith.constant 0 : i32
    %dma_start3A_6 = tpu.memref_slice %arg6[%dma_start3A, %dma_start3A_5] : memref<4x128xi32, #tpu.memory_space<vmem>> -> memref<1x128xi32, #tpu.memory_space<vmem>>
    %dma_start3A_7 = tpu.memref_squeeze %dma_start3A_6 : memref<1x128xi32, #tpu.memory_space<vmem>> -> memref<128xi32, #tpu.memory_space<vmem>>
    %dma_start3A_8 = tpu.memref_slice %arg2[%add3A_4] : memref<16384xi32, #tpu.memory_space<hbm>> -> memref<128xi32, #tpu.memory_space<hbm>>
    %dma_start3A_9 = arith.constant 0 : i32
    %dma_start3A_10 = tpu.memref_slice %arg6[%dma_start3A, %dma_start3A_9] : memref<4x128xi32, #tpu.memory_space<vmem>> -> memref<1x128xi32, #tpu.memory_space<vmem>>
    %dma_start3A_11 = tpu.memref_squeeze %dma_start3A_10 : memref<1x128xi32, #tpu.memory_space<vmem>> -> memref<128xi32, #tpu.memory_space<vmem>>
    %dma_start3A_12 = tpu.memref_slice %arg2[%add3A_4] : memref<16384xi32, #tpu.memory_space<hbm>> -> memref<128xi32, #tpu.memory_space<hbm>>
    tpu.enqueue_dma source(%dma_start3A_12 : memref<128xi32, #tpu.memory_space<hbm>>) target(%dma_start3A_11 : memref<128xi32, #tpu.memory_space<vmem>>) target_semaphore(%arg11 : memref<!tpu.dma_semaphore, #tpu.memory_space<semaphore_mem>>)
    %add3A_13 = arith.constant 0 : i32
    %add3A_14 = arith.addi %mul3A_2, %add3A_13 : i32
    %dma_start3A_15 = arith.constant 0 : i32
    %dma_start3A_16 = arith.constant 0 : i32
    %dma_start3A_17 = tpu.memref_slice %arg7[%dma_start3A_15, %dma_start3A_16] : memref<4x128xi32, #tpu.memory_space<vmem>> -> memref<1x128xi32, #tpu.memory_space<vmem>>
    %dma_start3A_18 = tpu.memref_squeeze %dma_start3A_17 : memref<1x128xi32, #tpu.memory_space<vmem>> -> memref<128xi32, #tpu.memory_space<vmem>>
    %dma_start3A_19 = tpu.memref_slice %arg3[%add3A_14] : memref<16384xi32, #tpu.memory_space<hbm>> -> memref<128xi32, #tpu.memory_space<hbm>>
    %dma_start3A_20 = arith.constant 0 : i32
    %dma_start3A_21 = tpu.memref_slice %arg7[%dma_start3A_15, %dma_start3A_20] : memref<4x128xi32, #tpu.memory_space<vmem>> -> memref<1x128xi32, #tpu.memory_space<vmem>>
    %dma_start3A_22 = tpu.memref_squeeze %dma_start3A_21 : memref<1x128xi32, #tpu.memory_space<vmem>> -> memref<128xi32, #tpu.memory_space<vmem>>
    %dma_start3A_23 = tpu.memref_slice %arg3[%add3A_14] : memref<16384xi32, #tpu.memory_space<hbm>> -> memref<128xi32, #tpu.memory_space<hbm>>
    tpu.enqueue_dma source(%dma_start3A_23 : memref<128xi32, #tpu.memory_space<hbm>>) target(%dma_start3A_22 : memref<128xi32, #tpu.memory_space<vmem>>) target_semaphore(%arg11 : memref<!tpu.dma_semaphore, #tpu.memory_space<semaphore_mem>>)
    %add3A_24 = arith.constant 128 : i32
    %add3A_25 = arith.addi %mul3A_2, %add3A_24 : i32
    %dma_start3A_26 = arith.constant 1 : i32
    %dma_start3A_27 = arith.constant 0 : i32
    %dma_start3A_28 = tpu.memref_slice %arg6[%dma_start3A_26, %dma_start3A_27] : memref<4x128xi32, #tpu.memory_space<vmem>> -> memref<1x128xi32, #tpu.memory_space<vmem>>
    %dma_start3A_29 = tpu.memref_squeeze %dma_start3A_28 : memref<1x128xi32, #tpu.memory_space<vmem>> -> memref<128xi32, #tpu.memory_space<vmem>>
    %dma_start3A_30 = tpu.memref_slice %arg2[%add3A_25] : memref<16384xi32, #tpu.memory_space<hbm>> -> memref<128xi32, #tpu.memory_space<hbm>>
    %dma_start3A_31 = arith.constant 0 : i32
    %dma_start3A_32 = tpu.memref_slice %arg6[%dma_start3A_26, %dma_start3A_31] : memref<4x128xi32, #tpu.memory_space<vmem>> -> memref<1x128xi32, #tpu.memory_space<vmem>>
    %dma_start3A_33 = tpu.memref_squeeze %dma_start3A_32 : memref<1x128xi32, #tpu.memory_space<vmem>> -> memref<128xi32, #tpu.memory_space<vmem>>
    %dma_start3A_34 = tpu.memref_slice %arg2[%add3A_25] : memref<16384xi32, #tpu.memory_space<hbm>> -> memref<128xi32, #tpu.memory_space<hbm>>
    tpu.enqueue_dma source(%dma_start3A_34 : memref<128xi32, #tpu.memory_space<hbm>>) target(%dma_start3A_33 : memref<128xi32, #tpu.memory_space<vmem>>) target_semaphore(%arg11 : memref<!tpu.dma_semaphore, #tpu.memory_space<semaphore_mem>>)
    %add3A_35 = arith.constant 128 : i32
    %add3A_36 = arith.addi %mul3A_2, %add3A_35 : i32
    %dma_start3A_37 = arith.constant 1 : i32
    %dma_start3A_38 = arith.constant 0 : i32
    %dma_start3A_39 = tpu.memref_slice %arg7[%dma_start3A_37, %dma_start3A_38] : memref<4x128xi32, #tpu.memory_space<vmem>> -> memref<1x128xi32, #tpu.memory_space<vmem>>
    %dma_start3A_40 = tpu.memref_squeeze %dma_start3A_39 : memref<1x128xi32, #tpu.memory_space<vmem>> -> memref<128xi32, #tpu.memory_space<vmem>>
    %dma_start3A_41 = tpu.memref_slice %arg3[%add3A_36] : memref<16384xi32, #tpu.memory_space<hbm>> -> memref<128xi32, #tpu.memory_space<hbm>>
    %dma_start3A_42 = arith.constant 0 : i32
    %dma_start3A_43 = tpu.memref_slice %arg7[%dma_start3A_37, %dma_start3A_42] : memref<4x128xi32, #tpu.memory_space<vmem>> -> memref<1x128xi32, #tpu.memory_space<vmem>>
    %dma_start3A_44 = tpu.memref_squeeze %dma_start3A_43 : memref<1x128xi32, #tpu.memory_space<vmem>> -> memref<128xi32, #tpu.memory_space<vmem>>
    %dma_start3A_45 = tpu.memref_slice %arg3[%add3A_36] : memref<16384xi32, #tpu.memory_space<hbm>> -> memref<128xi32, #tpu.memory_space<hbm>>
    tpu.enqueue_dma source(%dma_start3A_45 : memref<128xi32, #tpu.memory_space<hbm>>) target(%dma_start3A_44 : memref<128xi32, #tpu.memory_space<vmem>>) target_semaphore(%arg11 : memref<!tpu.dma_semaphore, #tpu.memory_space<semaphore_mem>>)
    %add3A_46 = arith.constant 256 : i32
    %add3A_47 = arith.addi %mul3A_2, %add3A_46 : i32
    %dma_start3A_48 = arith.constant 2 : i32
    %dma_start3A_49 = arith.constant 0 : i32
    %dma_start3A_50 = tpu.memref_slice %arg6[%dma_start3A_48, %dma_start3A_49] : memref<4x128xi32, #tpu.memory_space<vmem>> -> memref<1x128xi32, #tpu.memory_space<vmem>>
    %dma_start3A_51 = tpu.memref_squeeze %dma_start3A_50 : memref<1x128xi32, #tpu.memory_space<vmem>> -> memref<128xi32, #tpu.memory_space<vmem>>
    %dma_start3A_52 = tpu.memref_slice %arg2[%add3A_47] : memref<16384xi32, #tpu.memory_space<hbm>> -> memref<128xi32, #tpu.memory_space<hbm>>
    %dma_start3A_53 = arith.constant 0 : i32
    %dma_start3A_54 = tpu.memref_slice %arg6[%dma_start3A_48, %dma_start3A_53] : memref<4x128xi32, #tpu.memory_space<vmem>> -> memref<1x128xi32, #tpu.memory_space<vmem>>
    %dma_start3A_55 = tpu.memref_squeeze %dma_start3A_54 : memref<1x128xi32, #tpu.memory_space<vmem>> -> memref<128xi32, #tpu.memory_space<vmem>>
    %dma_start3A_56 = tpu.memref_slice %arg2[%add3A_47] : memref<16384xi32, #tpu.memory_space<hbm>> -> memref<128xi32, #tpu.memory_space<hbm>>
    tpu.enqueue_dma source(%dma_start3A_56 : memref<128xi32, #tpu.memory_space<hbm>>) target(%dma_start3A_55 : memref<128xi32, #tpu.memory_space<vmem>>) target_semaphore(%arg11 : memref<!tpu.dma_semaphore, #tpu.memory_space<semaphore_mem>>)
    %add3A_57 = arith.constant 256 : i32
    %add3A_58 = arith.addi %mul3A_2, %add3A_57 : i32
    %dma_start3A_59 = arith.constant 2 : i32
    %dma_start3A_60 = arith.constant 0 : i32
    %dma_start3A_61 = tpu.memref_slice %arg7[%dma_start3A_59, %dma_start3A_60] : memref<4x128xi32, #tpu.memory_space<vmem>> -> memref<1x128xi32, #tpu.memory_space<vmem>>
    %dma_start3A_62 = tpu.memref_squeeze %dma_start3A_61 : memref<1x128xi32, #tpu.memory_space<vmem>> -> memref<128xi32, #tpu.memory_space<vmem>>
    %dma_start3A_63 = tpu.memref_slice %arg3[%add3A_58] : memref<16384xi32, #tpu.memory_space<hbm>> -> memref<128xi32, #tpu.memory_space<hbm>>
    %dma_start3A_64 = arith.constant 0 : i32
    %dma_start3A_65 = tpu.memref_slice %arg7[%dma_start3A_59, %dma_start3A_64] : memref<4x128xi32, #tpu.memory_space<vmem>> -> memref<1x128xi32, #tpu.memory_space<vmem>>
    %dma_start3A_66 = tpu.memref_squeeze %dma_start3A_65 : memref<1x128xi32, #tpu.memory_space<vmem>> -> memref<128xi32, #tpu.memory_space<vmem>>
    %dma_start3A_67 = tpu.memref_slice %arg3[%add3A_58] : memref<16384xi32, #tpu.memory_space<hbm>> -> memref<128xi32, #tpu.memory_space<hbm>>
    tpu.enqueue_dma source(%dma_start3A_67 : memref<128xi32, #tpu.memory_space<hbm>>) target(%dma_start3A_66 : memref<128xi32, #tpu.memory_space<vmem>>) target_semaphore(%arg11 : memref<!tpu.dma_semaphore, #tpu.memory_space<semaphore_mem>>)
    %add3A_68 = arith.constant 384 : i32
    %add3A_69 = arith.addi %mul3A_2, %add3A_68 : i32
    %dma_start3A_70 = arith.constant 3 : i32
    %dma_start3A_71 = arith.constant 0 : i32
    %dma_start3A_72 = tpu.memref_slice %arg6[%dma_start3A_70, %dma_start3A_71] : memref<4x128xi32, #tpu.memory_space<vmem>> -> memref<1x128xi32, #tpu.memory_space<vmem>>
    %dma_start3A_73 = tpu.memref_squeeze %dma_start3A_72 : memref<1x128xi32, #tpu.memory_space<vmem>> -> memref<128xi32, #tpu.memory_space<vmem>>
    %dma_start3A_74 = tpu.memref_slice %arg2[%add3A_69] : memref<16384xi32, #tpu.memory_space<hbm>> -> memref<128xi32, #tpu.memory_space<hbm>>
    %dma_start3A_75 = arith.constant 0 : i32
    %dma_start3A_76 = tpu.memref_slice %arg6[%dma_start3A_70, %dma_start3A_75] : memref<4x128xi32, #tpu.memory_space<vmem>> -> memref<1x128xi32, #tpu.memory_space<vmem>>
    %dma_start3A_77 = tpu.memref_squeeze %dma_start3A_76 : memref<1x128xi32, #tpu.memory_space<vmem>> -> memref<128xi32, #tpu.memory_space<vmem>>
    %dma_start3A_78 = tpu.memref_slice %arg2[%add3A_69] : memref<16384xi32, #tpu.memory_space<hbm>> -> memref<128xi32, #tpu.memory_space<hbm>>
    tpu.enqueue_dma source(%dma_start3A_78 : memref<128xi32, #tpu.memory_space<hbm>>) target(%dma_start3A_77 : memref<128xi32, #tpu.memory_space<vmem>>) target_semaphore(%arg11 : memref<!tpu.dma_semaphore, #tpu.memory_space<semaphore_mem>>)
    %add3A_79 = arith.constant 384 : i32
    %add3A_80 = arith.addi %mul3A_2, %add3A_79 : i32
    %dma_start3A_81 = arith.constant 3 : i32
    %dma_start3A_82 = arith.constant 0 : i32
    %dma_start3A_83 = tpu.memref_slice %arg7[%dma_start3A_81, %dma_start3A_82] : memref<4x128xi32, #tpu.memory_space<vmem>> -> memref<1x128xi32, #tpu.memory_space<vmem>>
    %dma_start3A_84 = tpu.memref_squeeze %dma_start3A_83 : memref<1x128xi32, #tpu.memory_space<vmem>> -> memref<128xi32, #tpu.memory_space<vmem>>
    %dma_start3A_85 = tpu.memref_slice %arg3[%add3A_80] : memref<16384xi32, #tpu.memory_space<hbm>> -> memref<128xi32, #tpu.memory_space<hbm>>
    %dma_start3A_86 = arith.constant 0 : i32
    %dma_start3A_87 = tpu.memref_slice %arg7[%dma_start3A_81, %dma_start3A_86] : memref<4x128xi32, #tpu.memory_space<vmem>> -> memref<1x128xi32, #tpu.memory_space<vmem>>
    %dma_start3A_88 = tpu.memref_squeeze %dma_start3A_87 : memref<1x128xi32, #tpu.memory_space<vmem>> -> memref<128xi32, #tpu.memory_space<vmem>>
    %dma_start3A_89 = tpu.memref_slice %arg3[%add3A_80] : memref<16384xi32, #tpu.memory_space<hbm>> -> memref<128xi32, #tpu.memory_space<hbm>>
    tpu.enqueue_dma source(%dma_start3A_89 : memref<128xi32, #tpu.memory_space<hbm>>) target(%dma_start3A_88 : memref<128xi32, #tpu.memory_space<vmem>>) target_semaphore(%arg11 : memref<!tpu.dma_semaphore, #tpu.memory_space<semaphore_mem>>)
    %dma_wait3A = arith.constant 0 : i32
    %dma_wait3A_90 = arith.constant 0 : i32
    %dma_wait3A_91 = tpu.memref_slice %arg6[%dma_wait3A, %dma_wait3A_90] : memref<4x128xi32, #tpu.memory_space<vmem>> -> memref<1x128xi32, #tpu.memory_space<vmem>>
    %dma_wait3A_92 = tpu.memref_squeeze %dma_wait3A_91 : memref<1x128xi32, #tpu.memory_space<vmem>> -> memref<128xi32, #tpu.memory_space<vmem>>
    %dma_wait3A_93 = tpu.memref_slice %arg2[%add3A_4] : memref<16384xi32, #tpu.memory_space<hbm>> -> memref<128xi32, #tpu.memory_space<hbm>>
    %dma_wait3A_94 = arith.constant 0 : i32
    %dma_wait3A_95 = tpu.memref_slice %arg6[%dma_wait3A, %dma_wait3A_94] : memref<4x128xi32, #tpu.memory_space<vmem>> -> memref<1x128xi32, #tpu.memory_space<vmem>>
    %dma_wait3A_96 = tpu.memref_squeeze %dma_wait3A_95 : memref<1x128xi32, #tpu.memory_space<vmem>> -> memref<128xi32, #tpu.memory_space<vmem>>
    %dma_wait3A_97 = tpu.memref_slice %arg2[%add3A_4] : memref<16384xi32, #tpu.memory_space<hbm>> -> memref<128xi32, #tpu.memory_space<hbm>>
    tpu.wait_dma2 semaphore(%arg11 : memref<!tpu.dma_semaphore, #tpu.memory_space<semaphore_mem>>) src(%dma_wait3A_97 : memref<128xi32, #tpu.memory_space<hbm>>) dst(%dma_wait3A_96 : memref<128xi32, #tpu.memory_space<vmem>>)
    %dma_wait3A_98 = arith.constant 0 : i32
    %dma_wait3A_99 = arith.constant 0 : i32
    %dma_wait3A_100 = tpu.memref_slice %arg7[%dma_wait3A_98, %dma_wait3A_99] : memref<4x128xi32, #tpu.memory_space<vmem>> -> memref<1x128xi32, #tpu.memory_space<vmem>>
    %dma_wait3A_101 = tpu.memref_squeeze %dma_wait3A_100 : memref<1x128xi32, #tpu.memory_space<vmem>> -> memref<128xi32, #tpu.memory_space<vmem>>
    %dma_wait3A_102 = tpu.memref_slice %arg3[%add3A_14] : memref<16384xi32, #tpu.memory_space<hbm>> -> memref<128xi32, #tpu.memory_space<hbm>>
    %dma_wait3A_103 = arith.constant 0 : i32
    %dma_wait3A_104 = tpu.memref_slice %arg7[%dma_wait3A_98, %dma_wait3A_103] : memref<4x128xi32, #tpu.memory_space<vmem>> -> memref<1x128xi32, #tpu.memory_space<vmem>>
    %dma_wait3A_105 = tpu.memref_squeeze %dma_wait3A_104 : memref<1x128xi32, #tpu.memory_space<vmem>> -> memref<128xi32, #tpu.memory_space<vmem>>
    %dma_wait3A_106 = tpu.memref_slice %arg3[%add3A_14] : memref<16384xi32, #tpu.memory_space<hbm>> -> memref<128xi32, #tpu.memory_space<hbm>>
    tpu.wait_dma2 semaphore(%arg11 : memref<!tpu.dma_semaphore, #tpu.memory_space<semaphore_mem>>) src(%dma_wait3A_106 : memref<128xi32, #tpu.memory_space<hbm>>) dst(%dma_wait3A_105 : memref<128xi32, #tpu.memory_space<vmem>>)
    %dma_wait3A_107 = arith.constant 1 : i32
    %dma_wait3A_108 = arith.constant 0 : i32
    %dma_wait3A_109 = tpu.memref_slice %arg6[%dma_wait3A_107, %dma_wait3A_108] : memref<4x128xi32, #tpu.memory_space<vmem>> -> memref<1x128xi32, #tpu.memory_space<vmem>>
    %dma_wait3A_110 = tpu.memref_squeeze %dma_wait3A_109 : memref<1x128xi32, #tpu.memory_space<vmem>> -> memref<128xi32, #tpu.memory_space<vmem>>
    %dma_wait3A_111 = tpu.memref_slice %arg2[%add3A_25] : memref<16384xi32, #tpu.memory_space<hbm>> -> memref<128xi32, #tpu.memory_space<hbm>>
    %dma_wait3A_112 = arith.constant 0 : i32
    %dma_wait3A_113 = tpu.memref_slice %arg6[%dma_wait3A_107, %dma_wait3A_112] : memref<4x128xi32, #tpu.memory_space<vmem>> -> memref<1x128xi32, #tpu.memory_space<vmem>>
    %dma_wait3A_114 = tpu.memref_squeeze %dma_wait3A_113 : memref<1x128xi32, #tpu.memory_space<vmem>> -> memref<128xi32, #tpu.memory_space<vmem>>
    %dma_wait3A_115 = tpu.memref_slice %arg2[%add3A_25] : memref<16384xi32, #tpu.memory_space<hbm>> -> memref<128xi32, #tpu.memory_space<hbm>>
    tpu.wait_dma2 semaphore(%arg11 : memref<!tpu.dma_semaphore, #tpu.memory_space<semaphore_mem>>) src(%dma_wait3A_115 : memref<128xi32, #tpu.memory_space<hbm>>) dst(%dma_wait3A_114 : memref<128xi32, #tpu.memory_space<vmem>>)
    %dma_wait3A_116 = arith.constant 1 : i32
    %dma_wait3A_117 = arith.constant 0 : i32
    %dma_wait3A_118 = tpu.memref_slice %arg7[%dma_wait3A_116, %dma_wait3A_117] : memref<4x128xi32, #tpu.memory_space<vmem>> -> memref<1x128xi32, #tpu.memory_space<vmem>>
    %dma_wait3A_119 = tpu.memref_squeeze %dma_wait3A_118 : memref<1x128xi32, #tpu.memory_space<vmem>> -> memref<128xi32, #tpu.memory_space<vmem>>
    %dma_wait3A_120 = tpu.memref_slice %arg3[%add3A_36] : memref<16384xi32, #tpu.memory_space<hbm>> -> memref<128xi32, #tpu.memory_space<hbm>>
    %dma_wait3A_121 = arith.constant 0 : i32
    %dma_wait3A_122 = tpu.memref_slice %arg7[%dma_wait3A_116, %dma_wait3A_121] : memref<4x128xi32, #tpu.memory_space<vmem>> -> memref<1x128xi32, #tpu.memory_space<vmem>>
    %dma_wait3A_123 = tpu.memref_squeeze %dma_wait3A_122 : memref<1x128xi32, #tpu.memory_space<vmem>> -> memref<128xi32, #tpu.memory_space<vmem>>
    %dma_wait3A_124 = tpu.memref_slice %arg3[%add3A_36] : memref<16384xi32, #tpu.memory_space<hbm>> -> memref<128xi32, #tpu.memory_space<hbm>>
    tpu.wait_dma2 semaphore(%arg11 : memref<!tpu.dma_semaphore, #tpu.memory_space<semaphore_mem>>) src(%dma_wait3A_124 : memref<128xi32, #tpu.memory_space<hbm>>) dst(%dma_wait3A_123 : memref<128xi32, #tpu.memory_space<vmem>>)
    %dma_wait3A_125 = arith.constant 2 : i32
    %dma_wait3A_126 = arith.constant 0 : i32
    %dma_wait3A_127 = tpu.memref_slice %arg6[%dma_wait3A_125, %dma_wait3A_126] : memref<4x128xi32, #tpu.memory_space<vmem>> -> memref<1x128xi32, #tpu.memory_space<vmem>>
    %dma_wait3A_128 = tpu.memref_squeeze %dma_wait3A_127 : memref<1x128xi32, #tpu.memory_space<vmem>> -> memref<128xi32, #tpu.memory_space<vmem>>
    %dma_wait3A_129 = tpu.memref_slice %arg2[%add3A_47] : memref<16384xi32, #tpu.memory_space<hbm>> -> memref<128xi32, #tpu.memory_space<hbm>>
    %dma_wait3A_130 = arith.constant 0 : i32
    %dma_wait3A_131 = tpu.memref_slice %arg6[%dma_wait3A_125, %dma_wait3A_130] : memref<4x128xi32, #tpu.memory_space<vmem>> -> memref<1x128xi32, #tpu.memory_space<vmem>>
    %dma_wait3A_132 = tpu.memref_squeeze %dma_wait3A_131 : memref<1x128xi32, #tpu.memory_space<vmem>> -> memref<128xi32, #tpu.memory_space<vmem>>
    %dma_wait3A_133 = tpu.memref_slice %arg2[%add3A_47] : memref<16384xi32, #tpu.memory_space<hbm>> -> memref<128xi32, #tpu.memory_space<hbm>>
    tpu.wait_dma2 semaphore(%arg11 : memref<!tpu.dma_semaphore, #tpu.memory_space<semaphore_mem>>) src(%dma_wait3A_133 : memref<128xi32, #tpu.memory_space<hbm>>) dst(%dma_wait3A_132 : memref<128xi32, #tpu.memory_space<vmem>>)
    %dma_wait3A_134 = arith.constant 2 : i32
    %dma_wait3A_135 = arith.constant 0 : i32
    %dma_wait3A_136 = tpu.memref_slice %arg7[%dma_wait3A_134, %dma_wait3A_135] : memref<4x128xi32, #tpu.memory_space<vmem>> -> memref<1x128xi32, #tpu.memory_space<vmem>>
    %dma_wait3A_137 = tpu.memref_squeeze %dma_wait3A_136 : memref<1x128xi32, #tpu.memory_space<vmem>> -> memref<128xi32, #tpu.memory_space<vmem>>
    %dma_wait3A_138 = tpu.memref_slice %arg3[%add3A_58] : memref<16384xi32, #tpu.memory_space<hbm>> -> memref<128xi32, #tpu.memory_space<hbm>>
    %dma_wait3A_139 = arith.constant 0 : i32
    %dma_wait3A_140 = tpu.memref_slice %arg7[%dma_wait3A_134, %dma_wait3A_139] : memref<4x128xi32, #tpu.memory_space<vmem>> -> memref<1x128xi32, #tpu.memory_space<vmem>>
    %dma_wait3A_141 = tpu.memref_squeeze %dma_wait3A_140 : memref<1x128xi32, #tpu.memory_space<vmem>> -> memref<128xi32, #tpu.memory_space<vmem>>
    %dma_wait3A_142 = tpu.memref_slice %arg3[%add3A_58] : memref<16384xi32, #tpu.memory_space<hbm>> -> memref<128xi32, #tpu.memory_space<hbm>>
    tpu.wait_dma2 semaphore(%arg11 : memref<!tpu.dma_semaphore, #tpu.memory_space<semaphore_mem>>) src(%dma_wait3A_142 : memref<128xi32, #tpu.memory_space<hbm>>) dst(%dma_wait3A_141 : memref<128xi32, #tpu.memory_space<vmem>>)
    %dma_wait3A_143 = arith.constant 3 : i32
    %dma_wait3A_144 = arith.constant 0 : i32
    %dma_wait3A_145 = tpu.memref_slice %arg6[%dma_wait3A_143, %dma_wait3A_144] : memref<4x128xi32, #tpu.memory_space<vmem>> -> memref<1x128xi32, #tpu.memory_space<vmem>>
    %dma_wait3A_146 = tpu.memref_squeeze %dma_wait3A_145 : memref<1x128xi32, #tpu.memory_space<vmem>> -> memref<128xi32, #tpu.memory_space<vmem>>
    %dma_wait3A_147 = tpu.memref_slice %arg2[%add3A_69] : memref<16384xi32, #tpu.memory_space<hbm>> -> memref<128xi32, #tpu.memory_space<hbm>>
    %dma_wait3A_148 = arith.constant 0 : i32
    %dma_wait3A_149 = tpu.memref_slice %arg6[%dma_wait3A_143, %dma_wait3A_148] : memref<4x128xi32, #tpu.memory_space<vmem>> -> memref<1x128xi32, #tpu.memory_space<vmem>>
    %dma_wait3A_150 = tpu.memref_squeeze %dma_wait3A_149 : memref<1x128xi32, #tpu.memory_space<vmem>> -> memref<128xi32, #tpu.memory_space<vmem>>
    %dma_wait3A_151 = tpu.memref_slice %arg2[%add3A_69] : memref<16384xi32, #tpu.memory_space<hbm>> -> memref<128xi32, #tpu.memory_space<hbm>>
    tpu.wait_dma2 semaphore(%arg11 : memref<!tpu.dma_semaphore, #tpu.memory_space<semaphore_mem>>) src(%dma_wait3A_151 : memref<128xi32, #tpu.memory_space<hbm>>) dst(%dma_wait3A_150 : memref<128xi32, #tpu.memory_space<vmem>>)
    %dma_wait3A_152 = arith.constant 3 : i32
    %dma_wait3A_153 = arith.constant 0 : i32
    %dma_wait3A_154 = tpu.memref_slice %arg7[%dma_wait3A_152, %dma_wait3A_153] : memref<4x128xi32, #tpu.memory_space<vmem>> -> memref<1x128xi32, #tpu.memory_space<vmem>>
    %dma_wait3A_155 = tpu.memref_squeeze %dma_wait3A_154 : memref<1x128xi32, #tpu.memory_space<vmem>> -> memref<128xi32, #tpu.memory_space<vmem>>
    %dma_wait3A_156 = tpu.memref_slice %arg3[%add3A_80] : memref<16384xi32, #tpu.memory_space<hbm>> -> memref<128xi32, #tpu.memory_space<hbm>>
    %dma_wait3A_157 = arith.constant 0 : i32
    %dma_wait3A_158 = tpu.memref_slice %arg7[%dma_wait3A_152, %dma_wait3A_157] : memref<4x128xi32, #tpu.memory_space<vmem>> -> memref<1x128xi32, #tpu.memory_space<vmem>>
    %dma_wait3A_159 = tpu.memref_squeeze %dma_wait3A_158 : memref<1x128xi32, #tpu.memory_space<vmem>> -> memref<128xi32, #tpu.memory_space<vmem>>
    %dma_wait3A_160 = tpu.memref_slice %arg3[%add3A_80] : memref<16384xi32, #tpu.memory_space<hbm>> -> memref<128xi32, #tpu.memory_space<hbm>>
    tpu.wait_dma2 semaphore(%arg11 : memref<!tpu.dma_semaphore, #tpu.memory_space<semaphore_mem>>) src(%dma_wait3A_160 : memref<128xi32, #tpu.memory_space<hbm>>) dst(%dma_wait3A_159 : memref<128xi32, #tpu.memory_space<vmem>>)
    %get3A = arith.constant 0 : i32
    %get3A_161 = arith.index_cast %get3A : i32 to index
    %get3A_162 = arith.constant 0 : index
    %get3A_163 = tpu.vector_load %arg6[%get3A_161, %get3A_162] {strides = array<i32>} : memref<4x128xi32, #tpu.memory_space<vmem>>, vector<1x16xi32>,
    %get3A_164 = vector.shape_cast %get3A_163 : vector<1x16xi32> to vector<16xi32>
    %get3A_165 = arith.constant 0 : i32
    %get3A_166 = arith.index_cast %get3A_165 : i32 to index
    %get3A_167 = arith.constant 0 : index
    %get3A_168 = tpu.vector_load %arg7[%get3A_166, %get3A_167] {strides = array<i32>} : memref<4x128xi32, #tpu.memory_space<vmem>>, vector<1x16xi32>,
    %get3A_169 = vector.shape_cast %get3A_168 : vector<1x16xi32> to vector<16xi32>
    %shift_right_logical3A = arith.constant 7 : i32
    %shift_right_logical3A_170 = vector.broadcast %shift_right_logical3A : i32 to vector<16xi32>
    %shift_right_logical3A_171 = arith.shrui %get3A_169, %shift_right_logical3A_170 : vector<16xi32>
    %shift_left3A = arith.constant 17 : i32
    %shift_left3A_172 = vector.broadcast %shift_left3A : i32 to vector<16xi32>
    %shift_left3A_173 = arith.shli %shift_right_logical3A_171, %shift_left3A_172 : vector<16xi32>
    %shift_left3A_174 = arith.constant 7 : i32
    %shift_left3A_175 = vector.broadcast %shift_left3A_174 : i32 to vector<16xi32>
    %shift_left3A_176 = arith.shli %get3A_164, %shift_left3A_175 : vector<16xi32>
    %add3A_177 = arith.addi %shift_left3A_173, %shift_left3A_176 : vector<16xi32>
    %and3A = arith.constant 127 : i32
    %and3A_178 = vector.broadcast %and3A : i32 to vector<16xi32>
    %and3A_179 = arith.andi %get3A_169, %and3A_178 : vector<16xi32>
    %add3A_180 = arith.addi %add3A_177, %and3A_179 : vector<16xi32>
    %swap3A = arith.constant 0 : i32
    %swap3A_181 = arith.index_cast %swap3A : i32 to index
    %swap3A_182 = arith.constant 0 : index
    %swap3A_183 = tpu.vector_load %arg8[%swap3A_181, %swap3A_182] {strides = array<i32>} : memref<4x128xi32, #tpu.memory_space<vmem>>, vector<1x16xi32>,
    %swap3A_184 = vector.shape_cast %swap3A_183 : vector<1x16xi32> to vector<16xi32>
    %swap3A_185 = vector.shape_cast %add3A_180 : vector<16xi32> to vector<1x16xi32>
    tpu.vector_store %arg8[%swap3A_181, %swap3A_182], %swap3A_185 {strides = array<i32>} : memref<4x128xi32, #tpu.memory_space<vmem>>, vector<1x16xi32>,
    %get3A_186 = arith.constant 0 : i32
    %get3A_187 = arith.index_cast %get3A_186 : i32 to index
    %get3A_188 = arith.constant 16 : index
    %get3A_189 = tpu.vector_load %arg6[%get3A_187, %get3A_188] {strides = array<i32>} : memref<4x128xi32, #tpu.memory_space<vmem>>, vector<1x16xi32>,
    %get3A_190 = vector.shape_cast %get3A_189 : vector<1x16xi32> to vector<16xi32>
    %get3A_191 = arith.constant 0 : i32
    %get3A_192 = arith.index_cast %get3A_191 : i32 to index
    %get3A_193 = arith.constant 16 : index
    %get3A_194 = tpu.vector_load %arg7[%get3A_192, %get3A_193] {strides = array<i32>} : memref<4x128xi32, #tpu.memory_space<vmem>>, vector<1x16xi32>,
    %get3A_195 = vector.shape_cast %get3A_194 : vector<1x16xi32> to vector<16xi32>
    %shift_right_logical3A_196 = arith.constant 7 : i32
    %shift_right_logical3A_197 = vector.broadcast %shift_right_logical3A_196 : i32 to vector<16xi32>
    %shift_right_logical3A_198 = arith.shrui %get3A_195, %shift_right_logical3A_197 : vector<16xi32>
    %shift_left3A_199 = arith.constant 17 : i32
    %shift_left3A_200 = vector.broadcast %shift_left3A_199 : i32 to vector<16xi32>
    %shift_left3A_201 = arith.shli %shift_right_logical3A_198, %shift_left3A_200 : vector<16xi32>
    %shift_left3A_202 = arith.constant 7 : i32
    %shift_left3A_203 = vector.broadcast %shift_left3A_202 : i32 to vector<16xi32>
    %shift_left3A_204 = arith.shli %get3A_190, %shift_left3A_203 : vector<16xi32>
    %add3A_205 = arith.addi %shift_left3A_201, %shift_left3A_204 : vector<16xi32>
    %and3A_206 = arith.constant 127 : i32
    %and3A_207 = vector.broadcast %and3A_206 : i32 to vector<16xi32>
    %and3A_208 = arith.andi %get3A_195, %and3A_207 : vector<16xi32>
    %add3A_209 = arith.addi %add3A_205, %and3A_208 : vector<16xi32>
    %swap3A_210 = arith.constant 0 : i32
    %swap3A_211 = arith.index_cast %swap3A_210 : i32 to index
    %swap3A_212 = arith.constant 16 : index
    %swap3A_213 = tpu.vector_load %arg8[%swap3A_211, %swap3A_212] {strides = array<i32>} : memref<4x128xi32, #tpu.memory_space<vmem>>, vector<1x16xi32>,
    %swap3A_214 = vector.shape_cast %swap3A_213 : vector<1x16xi32> to vector<16xi32>
    %swap3A_215 = vector.shape_cast %add3A_209 : vector<16xi32> to vector<1x16xi32>
    tpu.vector_store %arg8[%swap3A_211, %swap3A_212], %swap3A_215 {strides = array<i32>} : memref<4x128xi32, #tpu.memory_space<vmem>>, vector<1x16xi32>,
    %get3A_216 = arith.constant 0 : i32
    %get3A_217 = arith.index_cast %get3A_216 : i32 to index
    %get3A_218 = arith.constant 32 : index
    %get3A_219 = tpu.vector_load %arg6[%get3A_217, %get3A_218] {strides = array<i32>} : memref<4x128xi32, #tpu.memory_space<vmem>>, vector<1x16xi32>,
    %get3A_220 = vector.shape_cast %get3A_219 : vector<1x16xi32> to vector<16xi32>
    %get3A_221 = arith.constant 0 : i32
    %get3A_222 = arith.index_cast %get3A_221 : i32 to index
    %get3A_223 = arith.constant 32 : index
    %get3A_224 = tpu.vector_load %arg7[%get3A_222, %get3A_223] {strides = array<i32>} : memref<4x128xi32, #tpu.memory_space<vmem>>, vector<1x16xi32>,
    %get3A_225 = vector.shape_cast %get3A_224 : vector<1x16xi32> to vector<16xi32>
    %shift_right_logical3A_226 = arith.constant 7 : i32
    %shift_right_logical3A_227 = vector.broadcast %shift_right_logical3A_226 : i32 to vector<16xi32>
    %shift_right_logical3A_228 = arith.shrui %get3A_225, %shift_right_logical3A_227 : vector<16xi32>
    %shift_left3A_229 = arith.constant 17 : i32
    %shift_left3A_230 = vector.broadcast %shift_left3A_229 : i32 to vector<16xi32>
    %shift_left3A_231 = arith.shli %shift_right_logical3A_228, %shift_left3A_230 : vector<16xi32>
    %shift_left3A_232 = arith.constant 7 : i32
    %shift_left3A_233 = vector.broadcast %shift_left3A_232 : i32 to vector<16xi32>
    %shift_left3A_234 = arith.shli %get3A_220, %shift_left3A_233 : vector<16xi32>
    %add3A_235 = arith.addi %shift_left3A_231, %shift_left3A_234 : vector<16xi32>
    %and3A_236 = arith.constant 127 : i32
    %and3A_237 = vector.broadcast %and3A_236 : i32 to vector<16xi32>
    %and3A_238 = arith.andi %get3A_225, %and3A_237 : vector<16xi32>
    %add3A_239 = arith.addi %add3A_235, %and3A_238 : vector<16xi32>
    %swap3A_240 = arith.constant 0 : i32
    %swap3A_241 = arith.index_cast %swap3A_240 : i32 to index
    %swap3A_242 = arith.constant 32 : index
    %swap3A_243 = tpu.vector_load %arg8[%swap3A_241, %swap3A_242] {strides = array<i32>} : memref<4x128xi32, #tpu.memory_space<vmem>>, vector<1x16xi32>,
    %swap3A_244 = vector.shape_cast %swap3A_243 : vector<1x16xi32> to vector<16xi32>
    %swap3A_245 = vector.shape_cast %add3A_239 : vector<16xi32> to vector<1x16xi32>
    tpu.vector_store %arg8[%swap3A_241, %swap3A_242], %swap3A_245 {strides = array<i32>} : memref<4x128xi32, #tpu.memory_space<vmem>>, vector<1x16xi32>,
    %get3A_246 = arith.constant 0 : i32
    %get3A_247 = arith.index_cast %get3A_246 : i32 to index
    %get3A_248 = arith.constant 48 : index
    %get3A_249 = tpu.vector_load %arg6[%get3A_247, %get3A_248] {strides = array<i32>} : memref<4x128xi32, #tpu.memory_space<vmem>>, vector<1x16xi32>,
    %get3A_250 = vector.shape_cast %get3A_249 : vector<1x16xi32> to vector<16xi32>
    %get3A_251 = arith.constant 0 : i32
    %get3A_252 = arith.index_cast %get3A_251 : i32 to index
    %get3A_253 = arith.constant 48 : index
    %get3A_254 = tpu.vector_load %arg7[%get3A_252, %get3A_253] {strides = array<i32>} : memref<4x128xi32, #tpu.memory_space<vmem>>, vector<1x16xi32>,
    %get3A_255 = vector.shape_cast %get3A_254 : vector<1x16xi32> to vector<16xi32>
    %shift_right_logical3A_256 = arith.constant 7 : i32
    %shift_right_logical3A_257 = vector.broadcast %shift_right_logical3A_256 : i32 to vector<16xi32>
    %shift_right_logical3A_258 = arith.shrui %get3A_255, %shift_right_logical3A_257 : vector<16xi32>
    %shift_left3A_259 = arith.constant 17 : i32
    %shift_left3A_260 = vector.broadcast %shift_left3A_259 : i32 to vector<16xi32>
    %shift_left3A_261 = arith.shli %shift_right_logical3A_258, %shift_left3A_260 : vector<16xi32>
    %shift_left3A_262 = arith.constant 7 : i32
    %shift_left3A_263 = vector.broadcast %shift_left3A_262 : i32 to vector<16xi32>
    %shift_left3A_264 = arith.shli %get3A_250, %shift_left3A_263 : vector<16xi32>
    %add3A_265 = arith.addi %shift_left3A_261, %shift_left3A_264 : vector<16xi32>
    %and3A_266 = arith.constant 127 : i32
    %and3A_267 = vector.broadcast %and3A_266 : i32 to vector<16xi32>
    %and3A_268 = arith.andi %get3A_255, %and3A_267 : vector<16xi32>
    %add3A_269 = arith.addi %add3A_265, %and3A_268 : vector<16xi32>
    %swap3A_270 = arith.constant 0 : i32
    %swap3A_271 = arith.index_cast %swap3A_270 : i32 to index
    %swap3A_272 = arith.constant 48 : index
    %swap3A_273 = tpu.vector_load %arg8[%swap3A_271, %swap3A_272] {strides = array<i32>} : memref<4x128xi32, #tpu.memory_space<vmem>>, vector<1x16xi32>,
    %swap3A_274 = vector.shape_cast %swap3A_273 : vector<1x16xi32> to vector<16xi32>
    %swap3A_275 = vector.shape_cast %add3A_269 : vector<16xi32> to vector<1x16xi32>
    tpu.vector_store %arg8[%swap3A_271, %swap3A_272], %swap3A_275 {strides = array<i32>} : memref<4x128xi32, #tpu.memory_space<vmem>>, vector<1x16xi32>,
    %get3A_276 = arith.constant 0 : i32
    %get3A_277 = arith.index_cast %get3A_276 : i32 to index
    %get3A_278 = arith.constant 64 : index
    %get3A_279 = tpu.vector_load %arg6[%get3A_277, %get3A_278] {strides = array<i32>} : memref<4x128xi32, #tpu.memory_space<vmem>>, vector<1x16xi32>,
    %get3A_280 = vector.shape_cast %get3A_279 : vector<1x16xi32> to vector<16xi32>
    %get3A_281 = arith.constant 0 : i32
    %get3A_282 = arith.index_cast %get3A_281 : i32 to index
    %get3A_283 = arith.constant 64 : index
    %get3A_284 = tpu.vector_load %arg7[%get3A_282, %get3A_283] {strides = array<i32>} : memref<4x128xi32, #tpu.memory_space<vmem>>, vector<1x16xi32>,
    %get3A_285 = vector.shape_cast %get3A_284 : vector<1x16xi32> to vector<16xi32>
    %shift_right_logical3A_286 = arith.constant 7 : i32
    %shift_right_logical3A_287 = vector.broadcast %shift_right_logical3A_286 : i32 to vector<16xi32>
    %shift_right_logical3A_288 = arith.shrui %get3A_285, %shift_right_logical3A_287 : vector<16xi32>
    %shift_left3A_289 = arith.constant 17 : i32
    %shift_left3A_290 = vector.broadcast %shift_left3A_289 : i32 to vector<16xi32>
    %shift_left3A_291 = arith.shli %shift_right_logical3A_288, %shift_left3A_290 : vector<16xi32>
    %shift_left3A_292 = arith.constant 7 : i32
    %shift_left3A_293 = vector.broadcast %shift_left3A_292 : i32 to vector<16xi32>
    %shift_left3A_294 = arith.shli %get3A_280, %shift_left3A_293 : vector<16xi32>
    %add3A_295 = arith.addi %shift_left3A_291, %shift_left3A_294 : vector<16xi32>
    %and3A_296 = arith.constant 127 : i32
    %and3A_297 = vector.broadcast %and3A_296 : i32 to vector<16xi32>
    %and3A_298 = arith.andi %get3A_285, %and3A_297 : vector<16xi32>
    %add3A_299 = arith.addi %add3A_295, %and3A_298 : vector<16xi32>
    %swap3A_300 = arith.constant 0 : i32
    %swap3A_301 = arith.index_cast %swap3A_300 : i32 to index
    %swap3A_302 = arith.constant 64 : index
    %swap3A_303 = tpu.vector_load %arg8[%swap3A_301, %swap3A_302] {strides = array<i32>} : memref<4x128xi32, #tpu.memory_space<vmem>>, vector<1x16xi32>,
    %swap3A_304 = vector.shape_cast %swap3A_303 : vector<1x16xi32> to vector<16xi32>
    %swap3A_305 = vector.shape_cast %add3A_299 : vector<16xi32> to vector<1x16xi32>
    tpu.vector_store %arg8[%swap3A_301, %swap3A_302], %swap3A_305 {strides = array<i32>} : memref<4x128xi32, #tpu.memory_space<vmem>>, vector<1x16xi32>,
    %get3A_306 = arith.constant 0 : i32
    %get3A_307 = arith.index_cast %get3A_306 : i32 to index
    %get3A_308 = arith.constant 80 : index
    %get3A_309 = tpu.vector_load %arg6[%get3A_307, %get3A_308] {strides = array<i32>} : memref<4x128xi32, #tpu.memory_space<vmem>>, vector<1x16xi32>,
    %get3A_310 = vector.shape_cast %get3A_309 : vector<1x16xi32> to vector<16xi32>
    %get3A_311 = arith.constant 0 : i32
    %get3A_312 = arith.index_cast %get3A_311 : i32 to index
    %get3A_313 = arith.constant 80 : index
    %get3A_314 = tpu.vector_load %arg7[%get3A_312, %get3A_313] {strides = array<i32>} : memref<4x128xi32, #tpu.memory_space<vmem>>, vector<1x16xi32>,
    %get3A_315 = vector.shape_cast %get3A_314 : vector<1x16xi32> to vector<16xi32>
    %shift_right_logical3A_316 = arith.constant 7 : i32
    %shift_right_logical3A_317 = vector.broadcast %shift_right_logical3A_316 : i32 to vector<16xi32>
    %shift_right_logical3A_318 = arith.shrui %get3A_315, %shift_right_logical3A_317 : vector<16xi32>
    %shift_left3A_319 = arith.constant 17 : i32
    %shift_left3A_320 = vector.broadcast %shift_left3A_319 : i32 to vector<16xi32>
    %shift_left3A_321 = arith.shli %shift_right_logical3A_318, %shift_left3A_320 : vector<16xi32>
    %shift_left3A_322 = arith.constant 7 : i32
    %shift_left3A_323 = vector.broadcast %shift_left3A_322 : i32 to vector<16xi32>
    %shift_left3A_324 = arith.shli %get3A_310, %shift_left3A_323 : vector<16xi32>
    %add3A_325 = arith.addi %shift_left3A_321, %shift_left3A_324 : vector<16xi32>
    %and3A_326 = arith.constant 127 : i32
    %and3A_327 = vector.broadcast %and3A_326 : i32 to vector<16xi32>
    %and3A_328 = arith.andi %get3A_315, %and3A_327 : vector<16xi32>
    %add3A_329 = arith.addi %add3A_325, %and3A_328 : vector<16xi32>
    %swap3A_330 = arith.constant 0 : i32
    %swap3A_331 = arith.index_cast %swap3A_330 : i32 to index
    %swap3A_332 = arith.constant 80 : index
    %swap3A_333 = tpu.vector_load %arg8[%swap3A_331, %swap3A_332] {strides = array<i32>} : memref<4x128xi32, #tpu.memory_space<vmem>>, vector<1x16xi32>,
    %swap3A_334 = vector.shape_cast %swap3A_333 : vector<1x16xi32> to vector<16xi32>
    %swap3A_335 = vector.shape_cast %add3A_329 : vector<16xi32> to vector<1x16xi32>
    tpu.vector_store %arg8[%swap3A_331, %swap3A_332], %swap3A_335 {strides = array<i32>} : memref<4x128xi32, #tpu.memory_space<vmem>>, vector<1x16xi32>,
    %get3A_336 = arith.constant 0 : i32
    %get3A_337 = arith.index_cast %get3A_336 : i32 to index
    %get3A_338 = arith.constant 96 : index
    %get3A_339 = tpu.vector_load %arg6[%get3A_337, %get3A_338] {strides = array<i32>} : memref<4x128xi32, #tpu.memory_space<vmem>>, vector<1x16xi32>,
    %get3A_340 = vector.shape_cast %get3A_339 : vector<1x16xi32> to vector<16xi32>
    %get3A_341 = arith.constant 0 : i32
    %get3A_342 = arith.index_cast %get3A_341 : i32 to index
    %get3A_343 = arith.constant 96 : index
    %get3A_344 = tpu.vector_load %arg7[%get3A_342, %get3A_343] {strides = array<i32>} : memref<4x128xi32, #tpu.memory_space<vmem>>, vector<1x16xi32>,
    %get3A_345 = vector.shape_cast %get3A_344 : vector<1x16xi32> to vector<16xi32>
    %shift_right_logical3A_346 = arith.constant 7 : i32
    %shift_right_logical3A_347 = vector.broadcast %shift_right_logical3A_346 : i32 to vector<16xi32>
    %shift_right_logical3A_348 = arith.shrui %get3A_345, %shift_right_logical3A_347 : vector<16xi32>
    %shift_left3A_349 = arith.constant 17 : i32
    %shift_left3A_350 = vector.broadcast %shift_left3A_349 : i32 to vector<16xi32>
    %shift_left3A_351 = arith.shli %shift_right_logical3A_348, %shift_left3A_350 : vector<16xi32>
    %shift_left3A_352 = arith.constant 7 : i32
    %shift_left3A_353 = vector.broadcast %shift_left3A_352 : i32 to vector<16xi32>
    %shift_left3A_354 = arith.shli %get3A_340, %shift_left3A_353 : vector<16xi32>
    %add3A_355 = arith.addi %shift_left3A_351, %shift_left3A_354 : vector<16xi32>
    %and3A_356 = arith.constant 127 : i32
    %and3A_357 = vector.broadcast %and3A_356 : i32 to vector<16xi32>
    %and3A_358 = arith.andi %get3A_345, %and3A_357 : vector<16xi32>
    %add3A_359 = arith.addi %add3A_355, %and3A_358 : vector<16xi32>
    %swap3A_360 = arith.constant 0 : i32
    %swap3A_361 = arith.index_cast %swap3A_360 : i32 to index
    %swap3A_362 = arith.constant 96 : index
    %swap3A_363 = tpu.vector_load %arg8[%swap3A_361, %swap3A_362] {strides = array<i32>} : memref<4x128xi32, #tpu.memory_space<vmem>>, vector<1x16xi32>,
    %swap3A_364 = vector.shape_cast %swap3A_363 : vector<1x16xi32> to vector<16xi32>
    %swap3A_365 = vector.shape_cast %add3A_359 : vector<16xi32> to vector<1x16xi32>
    tpu.vector_store %arg8[%swap3A_361, %swap3A_362], %swap3A_365 {strides = array<i32>} : memref<4x128xi32, #tpu.memory_space<vmem>>, vector<1x16xi32>,
    %get3A_366 = arith.constant 0 : i32
    %get3A_367 = arith.index_cast %get3A_366 : i32 to index
    %get3A_368 = arith.constant 112 : index
    %get3A_369 = tpu.vector_load %arg6[%get3A_367, %get3A_368] {strides = array<i32>} : memref<4x128xi32, #tpu.memory_space<vmem>>, vector<1x16xi32>,
    %get3A_370 = vector.shape_cast %get3A_369 : vector<1x16xi32> to vector<16xi32>
    %get3A_371 = arith.constant 0 : i32
    %get3A_372 = arith.index_cast %get3A_371 : i32 to index
    %get3A_373 = arith.constant 112 : index
    %get3A_374 = tpu.vector_load %arg7[%get3A_372, %get3A_373] {strides = array<i32>} : memref<4x128xi32, #tpu.memory_space<vmem>>, vector<1x16xi32>,
    %get3A_375 = vector.shape_cast %get3A_374 : vector<1x16xi32> to vector<16xi32>
    %shift_right_logical3A_376 = arith.constant 7 : i32
    %shift_right_logical3A_377 = vector.broadcast %shift_right_logical3A_376 : i32 to vector<16xi32>
    %shift_right_logical3A_378 = arith.shrui %get3A_375, %shift_right_logical3A_377 : vector<16xi32>
    %shift_left3A_379 = arith.constant 17 : i32
    %shift_left3A_380 = vector.broadcast %shift_left3A_379 : i32 to vector<16xi32>
    %shift_left3A_381 = arith.shli %shift_right_logical3A_378, %shift_left3A_380 : vector<16xi32>
    %shift_left3A_382 = arith.constant 7 : i32
    %shift_left3A_383 = vector.broadcast %shift_left3A_382 : i32 to vector<16xi32>
    %shift_left3A_384 = arith.shli %get3A_370, %shift_left3A_383 : vector<16xi32>
    %add3A_385 = arith.addi %shift_left3A_381, %shift_left3A_384 : vector<16xi32>
    %and3A_386 = arith.constant 127 : i32
    %and3A_387 = vector.broadcast %and3A_386 : i32 to vector<16xi32>
    %and3A_388 = arith.andi %get3A_375, %and3A_387 : vector<16xi32>
    %add3A_389 = arith.addi %add3A_385, %and3A_388 : vector<16xi32>
    %swap3A_390 = arith.constant 0 : i32
    %swap3A_391 = arith.index_cast %swap3A_390 : i32 to index
    %swap3A_392 = arith.constant 112 : index
    %swap3A_393 = tpu.vector_load %arg8[%swap3A_391, %swap3A_392] {strides = array<i32>} : memref<4x128xi32, #tpu.memory_space<vmem>>, vector<1x16xi32>,
    %swap3A_394 = vector.shape_cast %swap3A_393 : vector<1x16xi32> to vector<16xi32>
    %swap3A_395 = vector.shape_cast %add3A_389 : vector<16xi32> to vector<1x16xi32>
    tpu.vector_store %arg8[%swap3A_391, %swap3A_392], %swap3A_395 {strides = array<i32>} : memref<4x128xi32, #tpu.memory_space<vmem>>, vector<1x16xi32>,
    %dma_start3A_396 = arith.constant 0 : i32
    %dma_start3A_397 = arith.constant 0 : i32
    %dma_start3A_398 = tpu.memref_slice %arg9[%dma_start3A_397] : memref<512xf32, #tpu.memory_space<vmem>> -> memref<128xf32, #tpu.memory_space<vmem>>
    %dma_start3A_399 = arith.constant 0 : i32
    %dma_start3A_400 = tpu.memref_slice %arg8[%dma_start3A_396, %dma_start3A_399] : memref<4x128xi32, #tpu.memory_space<vmem>> -> memref<1x128xi32, #tpu.memory_space<vmem>>
    %dma_start3A_401 = tpu.memref_squeeze %dma_start3A_400 : memref<1x128xi32, #tpu.memory_space<vmem>> -> memref<128xi32, #tpu.memory_space<vmem>>
    %dma_start3A_402 = arith.constant 0 : i32
    %dma_start3A_403 = tpu.memref_slice %arg4[%dma_start3A_402] : memref<1048576xf32, #tpu.memory_space<hbm>> -> memref<1048576xf32, #tpu.memory_space<hbm>>
    tpu.enqueue_indirect_dma source(%dma_start3A_403 : memref<1048576xf32, #tpu.memory_space<hbm>>) target(%dma_start3A_398 : memref<128xf32, #tpu.memory_space<vmem>>) offsets(%dma_start3A_401 : memref<128xi32, #tpu.memory_space<vmem>>) semaphore(%arg10 : memref<!tpu.dma_semaphore, #tpu.memory_space<semaphore_mem>>)
    %get3A_404 = arith.constant 1 : i32
    %get3A_405 = arith.index_cast %get3A_404 : i32 to index
    %get3A_406 = arith.constant 0 : index
    %get3A_407 = tpu.vector_load %arg6[%get3A_405, %get3A_406] {strides = array<i32>} : memref<4x128xi32, #tpu.memory_space<vmem>>, vector<1x16xi32>,
    %get3A_408 = vector.shape_cast %get3A_407 : vector<1x16xi32> to vector<16xi32>
    %get3A_409 = arith.constant 1 : i32
    %get3A_410 = arith.index_cast %get3A_409 : i32 to index
    %get3A_411 = arith.constant 0 : index
    %get3A_412 = tpu.vector_load %arg7[%get3A_410, %get3A_411] {strides = array<i32>} : memref<4x128xi32, #tpu.memory_space<vmem>>, vector<1x16xi32>,
    %get3A_413 = vector.shape_cast %get3A_412 : vector<1x16xi32> to vector<16xi32>
    %shift_right_logical3A_414 = arith.constant 7 : i32
    %shift_right_logical3A_415 = vector.broadcast %shift_right_logical3A_414 : i32 to vector<16xi32>
    %shift_right_logical3A_416 = arith.shrui %get3A_413, %shift_right_logical3A_415 : vector<16xi32>
    %shift_left3A_417 = arith.constant 17 : i32
    %shift_left3A_418 = vector.broadcast %shift_left3A_417 : i32 to vector<16xi32>
    %shift_left3A_419 = arith.shli %shift_right_logical3A_416, %shift_left3A_418 : vector<16xi32>
    %shift_left3A_420 = arith.constant 7 : i32
    %shift_left3A_421 = vector.broadcast %shift_left3A_420 : i32 to vector<16xi32>
    %shift_left3A_422 = arith.shli %get3A_408, %shift_left3A_421 : vector<16xi32>
    %add3A_423 = arith.addi %shift_left3A_419, %shift_left3A_422 : vector<16xi32>
    %and3A_424 = arith.constant 127 : i32
    %and3A_425 = vector.broadcast %and3A_424 : i32 to vector<16xi32>
    %and3A_426 = arith.andi %get3A_413, %and3A_425 : vector<16xi32>
    %add3A_427 = arith.addi %add3A_423, %and3A_426 : vector<16xi32>
    %swap3A_428 = arith.constant 1 : i32
    %swap3A_429 = arith.index_cast %swap3A_428 : i32 to index
    %swap3A_430 = arith.constant 0 : index
    %swap3A_431 = tpu.vector_load %arg8[%swap3A_429, %swap3A_430] {strides = array<i32>} : memref<4x128xi32, #tpu.memory_space<vmem>>, vector<1x16xi32>,
    %swap3A_432 = vector.shape_cast %swap3A_431 : vector<1x16xi32> to vector<16xi32>
    %swap3A_433 = vector.shape_cast %add3A_427 : vector<16xi32> to vector<1x16xi32>
    tpu.vector_store %arg8[%swap3A_429, %swap3A_430], %swap3A_433 {strides = array<i32>} : memref<4x128xi32, #tpu.memory_space<vmem>>, vector<1x16xi32>,
    %get3A_434 = arith.constant 1 : i32
    %get3A_435 = arith.index_cast %get3A_434 : i32 to index
    %get3A_436 = arith.constant 16 : index
    %get3A_437 = tpu.vector_load %arg6[%get3A_435, %get3A_436] {strides = array<i32>} : memref<4x128xi32, #tpu.memory_space<vmem>>, vector<1x16xi32>,
    %get3A_438 = vector.shape_cast %get3A_437 : vector<1x16xi32> to vector<16xi32>
    %get3A_439 = arith.constant 1 : i32
    %get3A_440 = arith.index_cast %get3A_439 : i32 to index
    %get3A_441 = arith.constant 16 : index
    %get3A_442 = tpu.vector_load %arg7[%get3A_440, %get3A_441] {strides = array<i32>} : memref<4x128xi32, #tpu.memory_space<vmem>>, vector<1x16xi32>,
    %get3A_443 = vector.shape_cast %get3A_442 : vector<1x16xi32> to vector<16xi32>
    %shift_right_logical3A_444 = arith.constant 7 : i32
    %shift_right_logical3A_445 = vector.broadcast %shift_right_logical3A_444 : i32 to vector<16xi32>
    %shift_right_logical3A_446 = arith.shrui %get3A_443, %shift_right_logical3A_445 : vector<16xi32>
    %shift_left3A_447 = arith.constant 17 : i32
    %shift_left3A_448 = vector.broadcast %shift_left3A_447 : i32 to vector<16xi32>
    %shift_left3A_449 = arith.shli %shift_right_logical3A_446, %shift_left3A_448 : vector<16xi32>
    %shift_left3A_450 = arith.constant 7 : i32
    %shift_left3A_451 = vector.broadcast %shift_left3A_450 : i32 to vector<16xi32>
    %shift_left3A_452 = arith.shli %get3A_438, %shift_left3A_451 : vector<16xi32>
    %add3A_453 = arith.addi %shift_left3A_449, %shift_left3A_452 : vector<16xi32>
    %and3A_454 = arith.constant 127 : i32
    %and3A_455 = vector.broadcast %and3A_454 : i32 to vector<16xi32>
    %and3A_456 = arith.andi %get3A_443, %and3A_455 : vector<16xi32>
    %add3A_457 = arith.addi %add3A_453, %and3A_456 : vector<16xi32>
    %swap3A_458 = arith.constant 1 : i32
    %swap3A_459 = arith.index_cast %swap3A_458 : i32 to index
    %swap3A_460 = arith.constant 16 : index
    %swap3A_461 = tpu.vector_load %arg8[%swap3A_459, %swap3A_460] {strides = array<i32>} : memref<4x128xi32, #tpu.memory_space<vmem>>, vector<1x16xi32>,
    %swap3A_462 = vector.shape_cast %swap3A_461 : vector<1x16xi32> to vector<16xi32>
    %swap3A_463 = vector.shape_cast %add3A_457 : vector<16xi32> to vector<1x16xi32>
    tpu.vector_store %arg8[%swap3A_459, %swap3A_460], %swap3A_463 {strides = array<i32>} : memref<4x128xi32, #tpu.memory_space<vmem>>, vector<1x16xi32>,
    %get3A_464 = arith.constant 1 : i32
    %get3A_465 = arith.index_cast %get3A_464 : i32 to index
    %get3A_466 = arith.constant 32 : index
    %get3A_467 = tpu.vector_load %arg6[%get3A_465, %get3A_466] {strides = array<i32>} : memref<4x128xi32, #tpu.memory_space<vmem>>, vector<1x16xi32>,
    %get3A_468 = vector.shape_cast %get3A_467 : vector<1x16xi32> to vector<16xi32>
    %get3A_469 = arith.constant 1 : i32
    %get3A_470 = arith.index_cast %get3A_469 : i32 to index
    %get3A_471 = arith.constant 32 : index
    %get3A_472 = tpu.vector_load %arg7[%get3A_470, %get3A_471] {strides = array<i32>} : memref<4x128xi32, #tpu.memory_space<vmem>>, vector<1x16xi32>,
    %get3A_473 = vector.shape_cast %get3A_472 : vector<1x16xi32> to vector<16xi32>
    %shift_right_logical3A_474 = arith.constant 7 : i32
    %shift_right_logical3A_475 = vector.broadcast %shift_right_logical3A_474 : i32 to vector<16xi32>
    %shift_right_logical3A_476 = arith.shrui %get3A_473, %shift_right_logical3A_475 : vector<16xi32>
    %shift_left3A_477 = arith.constant 17 : i32
    %shift_left3A_478 = vector.broadcast %shift_left3A_477 : i32 to vector<16xi32>
    %shift_left3A_479 = arith.shli %shift_right_logical3A_476, %shift_left3A_478 : vector<16xi32>
    %shift_left3A_480 = arith.constant 7 : i32
    %shift_left3A_481 = vector.broadcast %shift_left3A_480 : i32 to vector<16xi32>
    %shift_left3A_482 = arith.shli %get3A_468, %shift_left3A_481 : vector<16xi32>
    %add3A_483 = arith.addi %shift_left3A_479, %shift_left3A_482 : vector<16xi32>
    %and3A_484 = arith.constant 127 : i32
    %and3A_485 = vector.broadcast %and3A_484 : i32 to vector<16xi32>
    %and3A_486 = arith.andi %get3A_473, %and3A_485 : vector<16xi32>
    %add3A_487 = arith.addi %add3A_483, %and3A_486 : vector<16xi32>
    %swap3A_488 = arith.constant 1 : i32
    %swap3A_489 = arith.index_cast %swap3A_488 : i32 to index
    %swap3A_490 = arith.constant 32 : index
    %swap3A_491 = tpu.vector_load %arg8[%swap3A_489, %swap3A_490] {strides = array<i32>} : memref<4x128xi32, #tpu.memory_space<vmem>>, vector<1x16xi32>,
    %swap3A_492 = vector.shape_cast %swap3A_491 : vector<1x16xi32> to vector<16xi32>
    %swap3A_493 = vector.shape_cast %add3A_487 : vector<16xi32> to vector<1x16xi32>
    tpu.vector_store %arg8[%swap3A_489, %swap3A_490], %swap3A_493 {strides = array<i32>} : memref<4x128xi32, #tpu.memory_space<vmem>>, vector<1x16xi32>,
    %get3A_494 = arith.constant 1 : i32
    %get3A_495 = arith.index_cast %get3A_494 : i32 to index
    %get3A_496 = arith.constant 48 : index
    %get3A_497 = tpu.vector_load %arg6[%get3A_495, %get3A_496] {strides = array<i32>} : memref<4x128xi32, #tpu.memory_space<vmem>>, vector<1x16xi32>,
    %get3A_498 = vector.shape_cast %get3A_497 : vector<1x16xi32> to vector<16xi32>
    %get3A_499 = arith.constant 1 : i32
    %get3A_500 = arith.index_cast %get3A_499 : i32 to index
    %get3A_501 = arith.constant 48 : index
    %get3A_502 = tpu.vector_load %arg7[%get3A_500, %get3A_501] {strides = array<i32>} : memref<4x128xi32, #tpu.memory_space<vmem>>, vector<1x16xi32>,
    %get3A_503 = vector.shape_cast %get3A_502 : vector<1x16xi32> to vector<16xi32>
    %shift_right_logical3A_504 = arith.constant 7 : i32
    %shift_right_logical3A_505 = vector.broadcast %shift_right_logical3A_504 : i32 to vector<16xi32>
    %shift_right_logical3A_506 = arith.shrui %get3A_503, %shift_right_logical3A_505 : vector<16xi32>
    %shift_left3A_507 = arith.constant 17 : i32
    %shift_left3A_508 = vector.broadcast %shift_left3A_507 : i32 to vector<16xi32>
    %shift_left3A_509 = arith.shli %shift_right_logical3A_506, %shift_left3A_508 : vector<16xi32>
    %shift_left3A_510 = arith.constant 7 : i32
    %shift_left3A_511 = vector.broadcast %shift_left3A_510 : i32 to vector<16xi32>
    %shift_left3A_512 = arith.shli %get3A_498, %shift_left3A_511 : vector<16xi32>
    %add3A_513 = arith.addi %shift_left3A_509, %shift_left3A_512 : vector<16xi32>
    %and3A_514 = arith.constant 127 : i32
    %and3A_515 = vector.broadcast %and3A_514 : i32 to vector<16xi32>
    %and3A_516 = arith.andi %get3A_503, %and3A_515 : vector<16xi32>
    %add3A_517 = arith.addi %add3A_513, %and3A_516 : vector<16xi32>
    %swap3A_518 = arith.constant 1 : i32
    %swap3A_519 = arith.index_cast %swap3A_518 : i32 to index
    %swap3A_520 = arith.constant 48 : index
    %swap3A_521 = tpu.vector_load %arg8[%swap3A_519, %swap3A_520] {strides = array<i32>} : memref<4x128xi32, #tpu.memory_space<vmem>>, vector<1x16xi32>,
    %swap3A_522 = vector.shape_cast %swap3A_521 : vector<1x16xi32> to vector<16xi32>
    %swap3A_523 = vector.shape_cast %add3A_517 : vector<16xi32> to vector<1x16xi32>
    tpu.vector_store %arg8[%swap3A_519, %swap3A_520], %swap3A_523 {strides = array<i32>} : memref<4x128xi32, #tpu.memory_space<vmem>>, vector<1x16xi32>,
    %get3A_524 = arith.constant 1 : i32
    %get3A_525 = arith.index_cast %get3A_524 : i32 to index
    %get3A_526 = arith.constant 64 : index
    %get3A_527 = tpu.vector_load %arg6[%get3A_525, %get3A_526] {strides = array<i32>} : memref<4x128xi32, #tpu.memory_space<vmem>>, vector<1x16xi32>,
    %get3A_528 = vector.shape_cast %get3A_527 : vector<1x16xi32> to vector<16xi32>
    %get3A_529 = arith.constant 1 : i32
    %get3A_530 = arith.index_cast %get3A_529 : i32 to index
    %get3A_531 = arith.constant 64 : index
    %get3A_532 = tpu.vector_load %arg7[%get3A_530, %get3A_531] {strides = array<i32>} : memref<4x128xi32, #tpu.memory_space<vmem>>, vector<1x16xi32>,
    %get3A_533 = vector.shape_cast %get3A_532 : vector<1x16xi32> to vector<16xi32>
    %shift_right_logical3A_534 = arith.constant 7 : i32
    %shift_right_logical3A_535 = vector.broadcast %shift_right_logical3A_534 : i32 to vector<16xi32>
    %shift_right_logical3A_536 = arith.shrui %get3A_533, %shift_right_logical3A_535 : vector<16xi32>
    %shift_left3A_537 = arith.constant 17 : i32
    %shift_left3A_538 = vector.broadcast %shift_left3A_537 : i32 to vector<16xi32>
    %shift_left3A_539 = arith.shli %shift_right_logical3A_536, %shift_left3A_538 : vector<16xi32>
    %shift_left3A_540 = arith.constant 7 : i32
    %shift_left3A_541 = vector.broadcast %shift_left3A_540 : i32 to vector<16xi32>
    %shift_left3A_542 = arith.shli %get3A_528, %shift_left3A_541 : vector<16xi32>
    %add3A_543 = arith.addi %shift_left3A_539, %shift_left3A_542 : vector<16xi32>
    %and3A_544 = arith.constant 127 : i32
    %and3A_545 = vector.broadcast %and3A_544 : i32 to vector<16xi32>
    %and3A_546 = arith.andi %get3A_533, %and3A_545 : vector<16xi32>
    %add3A_547 = arith.addi %add3A_543, %and3A_546 : vector<16xi32>
    %swap3A_548 = arith.constant 1 : i32
    %swap3A_549 = arith.index_cast %swap3A_548 : i32 to index
    %swap3A_550 = arith.constant 64 : index
    %swap3A_551 = tpu.vector_load %arg8[%swap3A_549, %swap3A_550] {strides = array<i32>} : memref<4x128xi32, #tpu.memory_space<vmem>>, vector<1x16xi32>,
    %swap3A_552 = vector.shape_cast %swap3A_551 : vector<1x16xi32> to vector<16xi32>
    %swap3A_553 = vector.shape_cast %add3A_547 : vector<16xi32> to vector<1x16xi32>
    tpu.vector_store %arg8[%swap3A_549, %swap3A_550], %swap3A_553 {strides = array<i32>} : memref<4x128xi32, #tpu.memory_space<vmem>>, vector<1x16xi32>,
    %get3A_554 = arith.constant 1 : i32
    %get3A_555 = arith.index_cast %get3A_554 : i32 to index
    %get3A_556 = arith.constant 80 : index
    %get3A_557 = tpu.vector_load %arg6[%get3A_555, %get3A_556] {strides = array<i32>} : memref<4x128xi32, #tpu.memory_space<vmem>>, vector<1x16xi32>,
    %get3A_558 = vector.shape_cast %get3A_557 : vector<1x16xi32> to vector<16xi32>
    %get3A_559 = arith.constant 1 : i32
    %get3A_560 = arith.index_cast %get3A_559 : i32 to index
    %get3A_561 = arith.constant 80 : index
    %get3A_562 = tpu.vector_load %arg7[%get3A_560, %get3A_561] {strides = array<i32>} : memref<4x128xi32, #tpu.memory_space<vmem>>, vector<1x16xi32>,
    %get3A_563 = vector.shape_cast %get3A_562 : vector<1x16xi32> to vector<16xi32>
    %shift_right_logical3A_564 = arith.constant 7 : i32
    %shift_right_logical3A_565 = vector.broadcast %shift_right_logical3A_564 : i32 to vector<16xi32>
    %shift_right_logical3A_566 = arith.shrui %get3A_563, %shift_right_logical3A_565 : vector<16xi32>
    %shift_left3A_567 = arith.constant 17 : i32
    %shift_left3A_568 = vector.broadcast %shift_left3A_567 : i32 to vector<16xi32>
    %shift_left3A_569 = arith.shli %shift_right_logical3A_566, %shift_left3A_568 : vector<16xi32>
    %shift_left3A_570 = arith.constant 7 : i32
    %shift_left3A_571 = vector.broadcast %shift_left3A_570 : i32 to vector<16xi32>
    %shift_left3A_572 = arith.shli %get3A_558, %shift_left3A_571 : vector<16xi32>
    %add3A_573 = arith.addi %shift_left3A_569, %shift_left3A_572 : vector<16xi32>
    %and3A_574 = arith.constant 127 : i32
    %and3A_575 = vector.broadcast %and3A_574 : i32 to vector<16xi32>
    %and3A_576 = arith.andi %get3A_563, %and3A_575 : vector<16xi32>
    %add3A_577 = arith.addi %add3A_573, %and3A_576 : vector<16xi32>
    %swap3A_578 = arith.constant 1 : i32
    %swap3A_579 = arith.index_cast %swap3A_578 : i32 to index
    %swap3A_580 = arith.constant 80 : index
    %swap3A_581 = tpu.vector_load %arg8[%swap3A_579, %swap3A_580] {strides = array<i32>} : memref<4x128xi32, #tpu.memory_space<vmem>>, vector<1x16xi32>,
    %swap3A_582 = vector.shape_cast %swap3A_581 : vector<1x16xi32> to vector<16xi32>
    %swap3A_583 = vector.shape_cast %add3A_577 : vector<16xi32> to vector<1x16xi32>
    tpu.vector_store %arg8[%swap3A_579, %swap3A_580], %swap3A_583 {strides = array<i32>} : memref<4x128xi32, #tpu.memory_space<vmem>>, vector<1x16xi32>,
    %get3A_584 = arith.constant 1 : i32
    %get3A_585 = arith.index_cast %get3A_584 : i32 to index
    %get3A_586 = arith.constant 96 : index
    %get3A_587 = tpu.vector_load %arg6[%get3A_585, %get3A_586] {strides = array<i32>} : memref<4x128xi32, #tpu.memory_space<vmem>>, vector<1x16xi32>,
    %get3A_588 = vector.shape_cast %get3A_587 : vector<1x16xi32> to vector<16xi32>
    %get3A_589 = arith.constant 1 : i32
    %get3A_590 = arith.index_cast %get3A_589 : i32 to index
    %get3A_591 = arith.constant 96 : index
    %get3A_592 = tpu.vector_load %arg7[%get3A_590, %get3A_591] {strides = array<i32>} : memref<4x128xi32, #tpu.memory_space<vmem>>, vector<1x16xi32>,
    %get3A_593 = vector.shape_cast %get3A_592 : vector<1x16xi32> to vector<16xi32>
    %shift_right_logical3A_594 = arith.constant 7 : i32
    %shift_right_logical3A_595 = vector.broadcast %shift_right_logical3A_594 : i32 to vector<16xi32>
    %shift_right_logical3A_596 = arith.shrui %get3A_593, %shift_right_logical3A_595 : vector<16xi32>
    %shift_left3A_597 = arith.constant 17 : i32
    %shift_left3A_598 = vector.broadcast %shift_left3A_597 : i32 to vector<16xi32>
    %shift_left3A_599 = arith.shli %shift_right_logical3A_596, %shift_left3A_598 : vector<16xi32>
    %shift_left3A_600 = arith.constant 7 : i32
    %shift_left3A_601 = vector.broadcast %shift_left3A_600 : i32 to vector<16xi32>
    %shift_left3A_602 = arith.shli %get3A_588, %shift_left3A_601 : vector<16xi32>
    %add3A_603 = arith.addi %shift_left3A_599, %shift_left3A_602 : vector<16xi32>
    %and3A_604 = arith.constant 127 : i32
    %and3A_605 = vector.broadcast %and3A_604 : i32 to vector<16xi32>
    %and3A_606 = arith.andi %get3A_593, %and3A_605 : vector<16xi32>
    %add3A_607 = arith.addi %add3A_603, %and3A_606 : vector<16xi32>
    %swap3A_608 = arith.constant 1 : i32
    %swap3A_609 = arith.index_cast %swap3A_608 : i32 to index
    %swap3A_610 = arith.constant 96 : index
    %swap3A_611 = tpu.vector_load %arg8[%swap3A_609, %swap3A_610] {strides = array<i32>} : memref<4x128xi32, #tpu.memory_space<vmem>>, vector<1x16xi32>,
    %swap3A_612 = vector.shape_cast %swap3A_611 : vector<1x16xi32> to vector<16xi32>
    %swap3A_613 = vector.shape_cast %add3A_607 : vector<16xi32> to vector<1x16xi32>
    tpu.vector_store %arg8[%swap3A_609, %swap3A_610], %swap3A_613 {strides = array<i32>} : memref<4x128xi32, #tpu.memory_space<vmem>>, vector<1x16xi32>,
    %get3A_614 = arith.constant 1 : i32
    %get3A_615 = arith.index_cast %get3A_614 : i32 to index
    %get3A_616 = arith.constant 112 : index
    %get3A_617 = tpu.vector_load %arg6[%get3A_615, %get3A_616] {strides = array<i32>} : memref<4x128xi32, #tpu.memory_space<vmem>>, vector<1x16xi32>,
    %get3A_618 = vector.shape_cast %get3A_617 : vector<1x16xi32> to vector<16xi32>
    %get3A_619 = arith.constant 1 : i32
    %get3A_620 = arith.index_cast %get3A_619 : i32 to index
    %get3A_621 = arith.constant 112 : index
    %get3A_622 = tpu.vector_load %arg7[%get3A_620, %get3A_621] {strides = array<i32>} : memref<4x128xi32, #tpu.memory_space<vmem>>, vector<1x16xi32>,
    %get3A_623 = vector.shape_cast %get3A_622 : vector<1x16xi32> to vector<16xi32>
    %shift_right_logical3A_624 = arith.constant 7 : i32
    %shift_right_logical3A_625 = vector.broadcast %shift_right_logical3A_624 : i32 to vector<16xi32>
    %shift_right_logical3A_626 = arith.shrui %get3A_623, %shift_right_logical3A_625 : vector<16xi32>
    %shift_left3A_627 = arith.constant 17 : i32
    %shift_left3A_628 = vector.broadcast %shift_left3A_627 : i32 to vector<16xi32>
    %shift_left3A_629 = arith.shli %shift_right_logical3A_626, %shift_left3A_628 : vector<16xi32>
    %shift_left3A_630 = arith.constant 7 : i32
    %shift_left3A_631 = vector.broadcast %shift_left3A_630 : i32 to vector<16xi32>
    %shift_left3A_632 = arith.shli %get3A_618, %shift_left3A_631 : vector<16xi32>
    %add3A_633 = arith.addi %shift_left3A_629, %shift_left3A_632 : vector<16xi32>
    %and3A_634 = arith.constant 127 : i32
    %and3A_635 = vector.broadcast %and3A_634 : i32 to vector<16xi32>
    %and3A_636 = arith.andi %get3A_623, %and3A_635 : vector<16xi32>
    %add3A_637 = arith.addi %add3A_633, %and3A_636 : vector<16xi32>
    %swap3A_638 = arith.constant 1 : i32
    %swap3A_639 = arith.index_cast %swap3A_638 : i32 to index
    %swap3A_640 = arith.constant 112 : index
    %swap3A_641 = tpu.vector_load %arg8[%swap3A_639, %swap3A_640] {strides = array<i32>} : memref<4x128xi32, #tpu.memory_space<vmem>>, vector<1x16xi32>,
    %swap3A_642 = vector.shape_cast %swap3A_641 : vector<1x16xi32> to vector<16xi32>
    %swap3A_643 = vector.shape_cast %add3A_637 : vector<16xi32> to vector<1x16xi32>
    tpu.vector_store %arg8[%swap3A_639, %swap3A_640], %swap3A_643 {strides = array<i32>} : memref<4x128xi32, #tpu.memory_space<vmem>>, vector<1x16xi32>,
    %dma_start3A_644 = arith.constant 1 : i32
    %dma_start3A_645 = arith.constant 128 : i32
    %dma_start3A_646 = tpu.memref_slice %arg9[%dma_start3A_645] : memref<512xf32, #tpu.memory_space<vmem>> -> memref<128xf32, #tpu.memory_space<vmem>>
    %dma_start3A_647 = arith.constant 0 : i32
    %dma_start3A_648 = tpu.memref_slice %arg8[%dma_start3A_644, %dma_start3A_647] : memref<4x128xi32, #tpu.memory_space<vmem>> -> memref<1x128xi32, #tpu.memory_space<vmem>>
    %dma_start3A_649 = tpu.memref_squeeze %dma_start3A_648 : memref<1x128xi32, #tpu.memory_space<vmem>> -> memref<128xi32, #tpu.memory_space<vmem>>
    %dma_start3A_650 = arith.constant 0 : i32
    %dma_start3A_651 = tpu.memref_slice %arg4[%dma_start3A_650] : memref<1048576xf32, #tpu.memory_space<hbm>> -> memref<1048576xf32, #tpu.memory_space<hbm>>
    tpu.enqueue_indirect_dma source(%dma_start3A_651 : memref<1048576xf32, #tpu.memory_space<hbm>>) target(%dma_start3A_646 : memref<128xf32, #tpu.memory_space<vmem>>) offsets(%dma_start3A_649 : memref<128xi32, #tpu.memory_space<vmem>>) semaphore(%arg10 : memref<!tpu.dma_semaphore, #tpu.memory_space<semaphore_mem>>)
    %get3A_652 = arith.constant 2 : i32
    %get3A_653 = arith.index_cast %get3A_652 : i32 to index
    %get3A_654 = arith.constant 0 : index
    %get3A_655 = tpu.vector_load %arg6[%get3A_653, %get3A_654] {strides = array<i32>} : memref<4x128xi32, #tpu.memory_space<vmem>>, vector<1x16xi32>,
    %get3A_656 = vector.shape_cast %get3A_655 : vector<1x16xi32> to vector<16xi32>
    %get3A_657 = arith.constant 2 : i32
    %get3A_658 = arith.index_cast %get3A_657 : i32 to index
    %get3A_659 = arith.constant 0 : index
    %get3A_660 = tpu.vector_load %arg7[%get3A_658, %get3A_659] {strides = array<i32>} : memref<4x128xi32, #tpu.memory_space<vmem>>, vector<1x16xi32>,
    %get3A_661 = vector.shape_cast %get3A_660 : vector<1x16xi32> to vector<16xi32>
    %shift_right_logical3A_662 = arith.constant 7 : i32
    %shift_right_logical3A_663 = vector.broadcast %shift_right_logical3A_662 : i32 to vector<16xi32>
    %shift_right_logical3A_664 = arith.shrui %get3A_661, %shift_right_logical3A_663 : vector<16xi32>
    %shift_left3A_665 = arith.constant 17 : i32
    %shift_left3A_666 = vector.broadcast %shift_left3A_665 : i32 to vector<16xi32>
    %shift_left3A_667 = arith.shli %shift_right_logical3A_664, %shift_left3A_666 : vector<16xi32>
    %shift_left3A_668 = arith.constant 7 : i32
    %shift_left3A_669 = vector.broadcast %shift_left3A_668 : i32 to vector<16xi32>
    %shift_left3A_670 = arith.shli %get3A_656, %shift_left3A_669 : vector<16xi32>
    %add3A_671 = arith.addi %shift_left3A_667, %shift_left3A_670 : vector<16xi32>
    %and3A_672 = arith.constant 127 : i32
    %and3A_673 = vector.broadcast %and3A_672 : i32 to vector<16xi32>
    %and3A_674 = arith.andi %get3A_661, %and3A_673 : vector<16xi32>
    %add3A_675 = arith.addi %add3A_671, %and3A_674 : vector<16xi32>
    %swap3A_676 = arith.constant 2 : i32
    %swap3A_677 = arith.index_cast %swap3A_676 : i32 to index
    %swap3A_678 = arith.constant 0 : index
    %swap3A_679 = tpu.vector_load %arg8[%swap3A_677, %swap3A_678] {strides = array<i32>} : memref<4x128xi32, #tpu.memory_space<vmem>>, vector<1x16xi32>,
    %swap3A_680 = vector.shape_cast %swap3A_679 : vector<1x16xi32> to vector<16xi32>
    %swap3A_681 = vector.shape_cast %add3A_675 : vector<16xi32> to vector<1x16xi32>
    tpu.vector_store %arg8[%swap3A_677, %swap3A_678], %swap3A_681 {strides = array<i32>} : memref<4x128xi32, #tpu.memory_space<vmem>>, vector<1x16xi32>,
    %get3A_682 = arith.constant 2 : i32
    %get3A_683 = arith.index_cast %get3A_682 : i32 to index
    %get3A_684 = arith.constant 16 : index
    %get3A_685 = tpu.vector_load %arg6[%get3A_683, %get3A_684] {strides = array<i32>} : memref<4x128xi32, #tpu.memory_space<vmem>>, vector<1x16xi32>,
    %get3A_686 = vector.shape_cast %get3A_685 : vector<1x16xi32> to vector<16xi32>
    %get3A_687 = arith.constant 2 : i32
    %get3A_688 = arith.index_cast %get3A_687 : i32 to index
    %get3A_689 = arith.constant 16 : index
    %get3A_690 = tpu.vector_load %arg7[%get3A_688, %get3A_689] {strides = array<i32>} : memref<4x128xi32, #tpu.memory_space<vmem>>, vector<1x16xi32>,
    %get3A_691 = vector.shape_cast %get3A_690 : vector<1x16xi32> to vector<16xi32>
    %shift_right_logical3A_692 = arith.constant 7 : i32
    %shift_right_logical3A_693 = vector.broadcast %shift_right_logical3A_692 : i32 to vector<16xi32>
    %shift_right_logical3A_694 = arith.shrui %get3A_691, %shift_right_logical3A_693 : vector<16xi32>
    %shift_left3A_695 = arith.constant 17 : i32
    %shift_left3A_696 = vector.broadcast %shift_left3A_695 : i32 to vector<16xi32>
    %shift_left3A_697 = arith.shli %shift_right_logical3A_694, %shift_left3A_696 : vector<16xi32>
    %shift_left3A_698 = arith.constant 7 : i32
    %shift_left3A_699 = vector.broadcast %shift_left3A_698 : i32 to vector<16xi32>
    %shift_left3A_700 = arith.shli %get3A_686, %shift_left3A_699 : vector<16xi32>
    %add3A_701 = arith.addi %shift_left3A_697, %shift_left3A_700 : vector<16xi32>
    %and3A_702 = arith.constant 127 : i32
    %and3A_703 = vector.broadcast %and3A_702 : i32 to vector<16xi32>
    %and3A_704 = arith.andi %get3A_691, %and3A_703 : vector<16xi32>
    %add3A_705 = arith.addi %add3A_701, %and3A_704 : vector<16xi32>
    %swap3A_706 = arith.constant 2 : i32
    %swap3A_707 = arith.index_cast %swap3A_706 : i32 to index
    %swap3A_708 = arith.constant 16 : index
    %swap3A_709 = tpu.vector_load %arg8[%swap3A_707, %swap3A_708] {strides = array<i32>} : memref<4x128xi32, #tpu.memory_space<vmem>>, vector<1x16xi32>,
    %swap3A_710 = vector.shape_cast %swap3A_709 : vector<1x16xi32> to vector<16xi32>
    %swap3A_711 = vector.shape_cast %add3A_705 : vector<16xi32> to vector<1x16xi32>
    tpu.vector_store %arg8[%swap3A_707, %swap3A_708], %swap3A_711 {strides = array<i32>} : memref<4x128xi32, #tpu.memory_space<vmem>>, vector<1x16xi32>,
    %get3A_712 = arith.constant 2 : i32
    %get3A_713 = arith.index_cast %get3A_712 : i32 to index
    %get3A_714 = arith.constant 32 : index
    %get3A_715 = tpu.vector_load %arg6[%get3A_713, %get3A_714] {strides = array<i32>} : memref<4x128xi32, #tpu.memory_space<vmem>>, vector<1x16xi32>,
    %get3A_716 = vector.shape_cast %get3A_715 : vector<1x16xi32> to vector<16xi32>
    %get3A_717 = arith.constant 2 : i32
    %get3A_718 = arith.index_cast %get3A_717 : i32 to index
    %get3A_719 = arith.constant 32 : index
    %get3A_720 = tpu.vector_load %arg7[%get3A_718, %get3A_719] {strides = array<i32>} : memref<4x128xi32, #tpu.memory_space<vmem>>, vector<1x16xi32>,
    %get3A_721 = vector.shape_cast %get3A_720 : vector<1x16xi32> to vector<16xi32>
    %shift_right_logical3A_722 = arith.constant 7 : i32
    %shift_right_logical3A_723 = vector.broadcast %shift_right_logical3A_722 : i32 to vector<16xi32>
    %shift_right_logical3A_724 = arith.shrui %get3A_721, %shift_right_logical3A_723 : vector<16xi32>
    %shift_left3A_725 = arith.constant 17 : i32
    %shift_left3A_726 = vector.broadcast %shift_left3A_725 : i32 to vector<16xi32>
    %shift_left3A_727 = arith.shli %shift_right_logical3A_724, %shift_left3A_726 : vector<16xi32>
    %shift_left3A_728 = arith.constant 7 : i32
    %shift_left3A_729 = vector.broadcast %shift_left3A_728 : i32 to vector<16xi32>
    %shift_left3A_730 = arith.shli %get3A_716, %shift_left3A_729 : vector<16xi32>
    %add3A_731 = arith.addi %shift_left3A_727, %shift_left3A_730 : vector<16xi32>
    %and3A_732 = arith.constant 127 : i32
    %and3A_733 = vector.broadcast %and3A_732 : i32 to vector<16xi32>
    %and3A_734 = arith.andi %get3A_721, %and3A_733 : vector<16xi32>
    %add3A_735 = arith.addi %add3A_731, %and3A_734 : vector<16xi32>
    %swap3A_736 = arith.constant 2 : i32
    %swap3A_737 = arith.index_cast %swap3A_736 : i32 to index
    %swap3A_738 = arith.constant 32 : index
    %swap3A_739 = tpu.vector_load %arg8[%swap3A_737, %swap3A_738] {strides = array<i32>} : memref<4x128xi32, #tpu.memory_space<vmem>>, vector<1x16xi32>,
    %swap3A_740 = vector.shape_cast %swap3A_739 : vector<1x16xi32> to vector<16xi32>
    %swap3A_741 = vector.shape_cast %add3A_735 : vector<16xi32> to vector<1x16xi32>
    tpu.vector_store %arg8[%swap3A_737, %swap3A_738], %swap3A_741 {strides = array<i32>} : memref<4x128xi32, #tpu.memory_space<vmem>>, vector<1x16xi32>,
    %get3A_742 = arith.constant 2 : i32
    %get3A_743 = arith.index_cast %get3A_742 : i32 to index
    %get3A_744 = arith.constant 48 : index
    %get3A_745 = tpu.vector_load %arg6[%get3A_743, %get3A_744] {strides = array<i32>} : memref<4x128xi32, #tpu.memory_space<vmem>>, vector<1x16xi32>,
    %get3A_746 = vector.shape_cast %get3A_745 : vector<1x16xi32> to vector<16xi32>
    %get3A_747 = arith.constant 2 : i32
    %get3A_748 = arith.index_cast %get3A_747 : i32 to index
    %get3A_749 = arith.constant 48 : index
    %get3A_750 = tpu.vector_load %arg7[%get3A_748, %get3A_749] {strides = array<i32>} : memref<4x128xi32, #tpu.memory_space<vmem>>, vector<1x16xi32>,
    %get3A_751 = vector.shape_cast %get3A_750 : vector<1x16xi32> to vector<16xi32>
    %shift_right_logical3A_752 = arith.constant 7 : i32
    %shift_right_logical3A_753 = vector.broadcast %shift_right_logical3A_752 : i32 to vector<16xi32>
    %shift_right_logical3A_754 = arith.shrui %get3A_751, %shift_right_logical3A_753 : vector<16xi32>
    %shift_left3A_755 = arith.constant 17 : i32
    %shift_left3A_756 = vector.broadcast %shift_left3A_755 : i32 to vector<16xi32>
    %shift_left3A_757 = arith.shli %shift_right_logical3A_754, %shift_left3A_756 : vector<16xi32>
    %shift_left3A_758 = arith.constant 7 : i32
    %shift_left3A_759 = vector.broadcast %shift_left3A_758 : i32 to vector<16xi32>
    %shift_left3A_760 = arith.shli %get3A_746, %shift_left3A_759 : vector<16xi32>
    %add3A_761 = arith.addi %shift_left3A_757, %shift_left3A_760 : vector<16xi32>
    %and3A_762 = arith.constant 127 : i32
    %and3A_763 = vector.broadcast %and3A_762 : i32 to vector<16xi32>
    %and3A_764 = arith.andi %get3A_751, %and3A_763 : vector<16xi32>
    %add3A_765 = arith.addi %add3A_761, %and3A_764 : vector<16xi32>
    %swap3A_766 = arith.constant 2 : i32
    %swap3A_767 = arith.index_cast %swap3A_766 : i32 to index
    %swap3A_768 = arith.constant 48 : index
    %swap3A_769 = tpu.vector_load %arg8[%swap3A_767, %swap3A_768] {strides = array<i32>} : memref<4x128xi32, #tpu.memory_space<vmem>>, vector<1x16xi32>,
    %swap3A_770 = vector.shape_cast %swap3A_769 : vector<1x16xi32> to vector<16xi32>
    %swap3A_771 = vector.shape_cast %add3A_765 : vector<16xi32> to vector<1x16xi32>
    tpu.vector_store %arg8[%swap3A_767, %swap3A_768], %swap3A_771 {strides = array<i32>} : memref<4x128xi32, #tpu.memory_space<vmem>>, vector<1x16xi32>,
    %get3A_772 = arith.constant 2 : i32
    %get3A_773 = arith.index_cast %get3A_772 : i32 to index
    %get3A_774 = arith.constant 64 : index
    %get3A_775 = tpu.vector_load %arg6[%get3A_773, %get3A_774] {strides = array<i32>} : memref<4x128xi32, #tpu.memory_space<vmem>>, vector<1x16xi32>,
    %get3A_776 = vector.shape_cast %get3A_775 : vector<1x16xi32> to vector<16xi32>
    %get3A_777 = arith.constant 2 : i32
    %get3A_778 = arith.index_cast %get3A_777 : i32 to index
    %get3A_779 = arith.constant 64 : index
    %get3A_780 = tpu.vector_load %arg7[%get3A_778, %get3A_779] {strides = array<i32>} : memref<4x128xi32, #tpu.memory_space<vmem>>, vector<1x16xi32>,
    %get3A_781 = vector.shape_cast %get3A_780 : vector<1x16xi32> to vector<16xi32>
    %shift_right_logical3A_782 = arith.constant 7 : i32
    %shift_right_logical3A_783 = vector.broadcast %shift_right_logical3A_782 : i32 to vector<16xi32>
    %shift_right_logical3A_784 = arith.shrui %get3A_781, %shift_right_logical3A_783 : vector<16xi32>
    %shift_left3A_785 = arith.constant 17 : i32
    %shift_left3A_786 = vector.broadcast %shift_left3A_785 : i32 to vector<16xi32>
    %shift_left3A_787 = arith.shli %shift_right_logical3A_784, %shift_left3A_786 : vector<16xi32>
    %shift_left3A_788 = arith.constant 7 : i32
    %shift_left3A_789 = vector.broadcast %shift_left3A_788 : i32 to vector<16xi32>
    %shift_left3A_790 = arith.shli %get3A_776, %shift_left3A_789 : vector<16xi32>
    %add3A_791 = arith.addi %shift_left3A_787, %shift_left3A_790 : vector<16xi32>
    %and3A_792 = arith.constant 127 : i32
    %and3A_793 = vector.broadcast %and3A_792 : i32 to vector<16xi32>
    %and3A_794 = arith.andi %get3A_781, %and3A_793 : vector<16xi32>
    %add3A_795 = arith.addi %add3A_791, %and3A_794 : vector<16xi32>
    %swap3A_796 = arith.constant 2 : i32
    %swap3A_797 = arith.index_cast %swap3A_796 : i32 to index
    %swap3A_798 = arith.constant 64 : index
    %swap3A_799 = tpu.vector_load %arg8[%swap3A_797, %swap3A_798] {strides = array<i32>} : memref<4x128xi32, #tpu.memory_space<vmem>>, vector<1x16xi32>,
    %swap3A_800 = vector.shape_cast %swap3A_799 : vector<1x16xi32> to vector<16xi32>
    %swap3A_801 = vector.shape_cast %add3A_795 : vector<16xi32> to vector<1x16xi32>
    tpu.vector_store %arg8[%swap3A_797, %swap3A_798], %swap3A_801 {strides = array<i32>} : memref<4x128xi32, #tpu.memory_space<vmem>>, vector<1x16xi32>,
    %get3A_802 = arith.constant 2 : i32
    %get3A_803 = arith.index_cast %get3A_802 : i32 to index
    %get3A_804 = arith.constant 80 : index
    %get3A_805 = tpu.vector_load %arg6[%get3A_803, %get3A_804] {strides = array<i32>} : memref<4x128xi32, #tpu.memory_space<vmem>>, vector<1x16xi32>,
    %get3A_806 = vector.shape_cast %get3A_805 : vector<1x16xi32> to vector<16xi32>
    %get3A_807 = arith.constant 2 : i32
    %get3A_808 = arith.index_cast %get3A_807 : i32 to index
    %get3A_809 = arith.constant 80 : index
    %get3A_810 = tpu.vector_load %arg7[%get3A_808, %get3A_809] {strides = array<i32>} : memref<4x128xi32, #tpu.memory_space<vmem>>, vector<1x16xi32>,
    %get3A_811 = vector.shape_cast %get3A_810 : vector<1x16xi32> to vector<16xi32>
    %shift_right_logical3A_812 = arith.constant 7 : i32
    %shift_right_logical3A_813 = vector.broadcast %shift_right_logical3A_812 : i32 to vector<16xi32>
    %shift_right_logical3A_814 = arith.shrui %get3A_811, %shift_right_logical3A_813 : vector<16xi32>
    %shift_left3A_815 = arith.constant 17 : i32
    %shift_left3A_816 = vector.broadcast %shift_left3A_815 : i32 to vector<16xi32>
    %shift_left3A_817 = arith.shli %shift_right_logical3A_814, %shift_left3A_816 : vector<16xi32>
    %shift_left3A_818 = arith.constant 7 : i32
    %shift_left3A_819 = vector.broadcast %shift_left3A_818 : i32 to vector<16xi32>
    %shift_left3A_820 = arith.shli %get3A_806, %shift_left3A_819 : vector<16xi32>
    %add3A_821 = arith.addi %shift_left3A_817, %shift_left3A_820 : vector<16xi32>
    %and3A_822 = arith.constant 127 : i32
    %and3A_823 = vector.broadcast %and3A_822 : i32 to vector<16xi32>
    %and3A_824 = arith.andi %get3A_811, %and3A_823 : vector<16xi32>
    %add3A_825 = arith.addi %add3A_821, %and3A_824 : vector<16xi32>
    %swap3A_826 = arith.constant 2 : i32
    %swap3A_827 = arith.index_cast %swap3A_826 : i32 to index
    %swap3A_828 = arith.constant 80 : index
    %swap3A_829 = tpu.vector_load %arg8[%swap3A_827, %swap3A_828] {strides = array<i32>} : memref<4x128xi32, #tpu.memory_space<vmem>>, vector<1x16xi32>,
    %swap3A_830 = vector.shape_cast %swap3A_829 : vector<1x16xi32> to vector<16xi32>
    %swap3A_831 = vector.shape_cast %add3A_825 : vector<16xi32> to vector<1x16xi32>
    tpu.vector_store %arg8[%swap3A_827, %swap3A_828], %swap3A_831 {strides = array<i32>} : memref<4x128xi32, #tpu.memory_space<vmem>>, vector<1x16xi32>,
    %get3A_832 = arith.constant 2 : i32
    %get3A_833 = arith.index_cast %get3A_832 : i32 to index
    %get3A_834 = arith.constant 96 : index
    %get3A_835 = tpu.vector_load %arg6[%get3A_833, %get3A_834] {strides = array<i32>} : memref<4x128xi32, #tpu.memory_space<vmem>>, vector<1x16xi32>,
    %get3A_836 = vector.shape_cast %get3A_835 : vector<1x16xi32> to vector<16xi32>
    %get3A_837 = arith.constant 2 : i32
    %get3A_838 = arith.index_cast %get3A_837 : i32 to index
    %get3A_839 = arith.constant 96 : index
    %get3A_840 = tpu.vector_load %arg7[%get3A_838, %get3A_839] {strides = array<i32>} : memref<4x128xi32, #tpu.memory_space<vmem>>, vector<1x16xi32>,
    %get3A_841 = vector.shape_cast %get3A_840 : vector<1x16xi32> to vector<16xi32>
    %shift_right_logical3A_842 = arith.constant 7 : i32
    %shift_right_logical3A_843 = vector.broadcast %shift_right_logical3A_842 : i32 to vector<16xi32>
    %shift_right_logical3A_844 = arith.shrui %get3A_841, %shift_right_logical3A_843 : vector<16xi32>
    %shift_left3A_845 = arith.constant 17 : i32
    %shift_left3A_846 = vector.broadcast %shift_left3A_845 : i32 to vector<16xi32>
    %shift_left3A_847 = arith.shli %shift_right_logical3A_844, %shift_left3A_846 : vector<16xi32>
    %shift_left3A_848 = arith.constant 7 : i32
    %shift_left3A_849 = vector.broadcast %shift_left3A_848 : i32 to vector<16xi32>
    %shift_left3A_850 = arith.shli %get3A_836, %shift_left3A_849 : vector<16xi32>
    %add3A_851 = arith.addi %shift_left3A_847, %shift_left3A_850 : vector<16xi32>
    %and3A_852 = arith.constant 127 : i32
    %and3A_853 = vector.broadcast %and3A_852 : i32 to vector<16xi32>
    %and3A_854 = arith.andi %get3A_841, %and3A_853 : vector<16xi32>
    %add3A_855 = arith.addi %add3A_851, %and3A_854 : vector<16xi32>
    %swap3A_856 = arith.constant 2 : i32
    %swap3A_857 = arith.index_cast %swap3A_856 : i32 to index
    %swap3A_858 = arith.constant 96 : index
    %swap3A_859 = tpu.vector_load %arg8[%swap3A_857, %swap3A_858] {strides = array<i32>} : memref<4x128xi32, #tpu.memory_space<vmem>>, vector<1x16xi32>,
    %swap3A_860 = vector.shape_cast %swap3A_859 : vector<1x16xi32> to vector<16xi32>
    %swap3A_861 = vector.shape_cast %add3A_855 : vector<16xi32> to vector<1x16xi32>
    tpu.vector_store %arg8[%swap3A_857, %swap3A_858], %swap3A_861 {strides = array<i32>} : memref<4x128xi32, #tpu.memory_space<vmem>>, vector<1x16xi32>,
    %get3A_862 = arith.constant 2 : i32
    %get3A_863 = arith.index_cast %get3A_862 : i32 to index
    %get3A_864 = arith.constant 112 : index
    %get3A_865 = tpu.vector_load %arg6[%get3A_863, %get3A_864] {strides = array<i32>} : memref<4x128xi32, #tpu.memory_space<vmem>>, vector<1x16xi32>,
    %get3A_866 = vector.shape_cast %get3A_865 : vector<1x16xi32> to vector<16xi32>
    %get3A_867 = arith.constant 2 : i32
    %get3A_868 = arith.index_cast %get3A_867 : i32 to index
    %get3A_869 = arith.constant 112 : index
    %get3A_870 = tpu.vector_load %arg7[%get3A_868, %get3A_869] {strides = array<i32>} : memref<4x128xi32, #tpu.memory_space<vmem>>, vector<1x16xi32>,
    %get3A_871 = vector.shape_cast %get3A_870 : vector<1x16xi32> to vector<16xi32>
    %shift_right_logical3A_872 = arith.constant 7 : i32
    %shift_right_logical3A_873 = vector.broadcast %shift_right_logical3A_872 : i32 to vector<16xi32>
    %shift_right_logical3A_874 = arith.shrui %get3A_871, %shift_right_logical3A_873 : vector<16xi32>
    %shift_left3A_875 = arith.constant 17 : i32
    %shift_left3A_876 = vector.broadcast %shift_left3A_875 : i32 to vector<16xi32>
    %shift_left3A_877 = arith.shli %shift_right_logical3A_874, %shift_left3A_876 : vector<16xi32>
    %shift_left3A_878 = arith.constant 7 : i32
    %shift_left3A_879 = vector.broadcast %shift_left3A_878 : i32 to vector<16xi32>
    %shift_left3A_880 = arith.shli %get3A_866, %shift_left3A_879 : vector<16xi32>
    %add3A_881 = arith.addi %shift_left3A_877, %shift_left3A_880 : vector<16xi32>
    %and3A_882 = arith.constant 127 : i32
    %and3A_883 = vector.broadcast %and3A_882 : i32 to vector<16xi32>
    %and3A_884 = arith.andi %get3A_871, %and3A_883 : vector<16xi32>
    %add3A_885 = arith.addi %add3A_881, %and3A_884 : vector<16xi32>
    %swap3A_886 = arith.constant 2 : i32
    %swap3A_887 = arith.index_cast %swap3A_886 : i32 to index
    %swap3A_888 = arith.constant 112 : index
    %swap3A_889 = tpu.vector_load %arg8[%swap3A_887, %swap3A_888] {strides = array<i32>} : memref<4x128xi32, #tpu.memory_space<vmem>>, vector<1x16xi32>,
    %swap3A_890 = vector.shape_cast %swap3A_889 : vector<1x16xi32> to vector<16xi32>
    %swap3A_891 = vector.shape_cast %add3A_885 : vector<16xi32> to vector<1x16xi32>
    tpu.vector_store %arg8[%swap3A_887, %swap3A_888], %swap3A_891 {strides = array<i32>} : memref<4x128xi32, #tpu.memory_space<vmem>>, vector<1x16xi32>,
    %dma_start3A_892 = arith.constant 2 : i32
    %dma_start3A_893 = arith.constant 256 : i32
    %dma_start3A_894 = tpu.memref_slice %arg9[%dma_start3A_893] : memref<512xf32, #tpu.memory_space<vmem>> -> memref<128xf32, #tpu.memory_space<vmem>>
    %dma_start3A_895 = arith.constant 0 : i32
    %dma_start3A_896 = tpu.memref_slice %arg8[%dma_start3A_892, %dma_start3A_895] : memref<4x128xi32, #tpu.memory_space<vmem>> -> memref<1x128xi32, #tpu.memory_space<vmem>>
    %dma_start3A_897 = tpu.memref_squeeze %dma_start3A_896 : memref<1x128xi32, #tpu.memory_space<vmem>> -> memref<128xi32, #tpu.memory_space<vmem>>
    %dma_start3A_898 = arith.constant 0 : i32
    %dma_start3A_899 = tpu.memref_slice %arg4[%dma_start3A_898] : memref<1048576xf32, #tpu.memory_space<hbm>> -> memref<1048576xf32, #tpu.memory_space<hbm>>
    tpu.enqueue_indirect_dma source(%dma_start3A_899 : memref<1048576xf32, #tpu.memory_space<hbm>>) target(%dma_start3A_894 : memref<128xf32, #tpu.memory_space<vmem>>) offsets(%dma_start3A_897 : memref<128xi32, #tpu.memory_space<vmem>>) semaphore(%arg10 : memref<!tpu.dma_semaphore, #tpu.memory_space<semaphore_mem>>)
    %get3A_900 = arith.constant 3 : i32
    %get3A_901 = arith.index_cast %get3A_900 : i32 to index
    %get3A_902 = arith.constant 0 : index
    %get3A_903 = tpu.vector_load %arg6[%get3A_901, %get3A_902] {strides = array<i32>} : memref<4x128xi32, #tpu.memory_space<vmem>>, vector<1x16xi32>,
    %get3A_904 = vector.shape_cast %get3A_903 : vector<1x16xi32> to vector<16xi32>
    %get3A_905 = arith.constant 3 : i32
    %get3A_906 = arith.index_cast %get3A_905 : i32 to index
    %get3A_907 = arith.constant 0 : index
    %get3A_908 = tpu.vector_load %arg7[%get3A_906, %get3A_907] {strides = array<i32>} : memref<4x128xi32, #tpu.memory_space<vmem>>, vector<1x16xi32>,
    %get3A_909 = vector.shape_cast %get3A_908 : vector<1x16xi32> to vector<16xi32>
    %shift_right_logical3A_910 = arith.constant 7 : i32
    %shift_right_logical3A_911 = vector.broadcast %shift_right_logical3A_910 : i32 to vector<16xi32>
    %shift_right_logical3A_912 = arith.shrui %get3A_909, %shift_right_logical3A_911 : vector<16xi32>
    %shift_left3A_913 = arith.constant 17 : i32
    %shift_left3A_914 = vector.broadcast %shift_left3A_913 : i32 to vector<16xi32>
    %shift_left3A_915 = arith.shli %shift_right_logical3A_912, %shift_left3A_914 : vector<16xi32>
    %shift_left3A_916 = arith.constant 7 : i32
    %shift_left3A_917 = vector.broadcast %shift_left3A_916 : i32 to vector<16xi32>
    %shift_left3A_918 = arith.shli %get3A_904, %shift_left3A_917 : vector<16xi32>
    %add3A_919 = arith.addi %shift_left3A_915, %shift_left3A_918 : vector<16xi32>
    %and3A_920 = arith.constant 127 : i32
    %and3A_921 = vector.broadcast %and3A_920 : i32 to vector<16xi32>
    %and3A_922 = arith.andi %get3A_909, %and3A_921 : vector<16xi32>
    %add3A_923 = arith.addi %add3A_919, %and3A_922 : vector<16xi32>
    %swap3A_924 = arith.constant 3 : i32
    %swap3A_925 = arith.index_cast %swap3A_924 : i32 to index
    %swap3A_926 = arith.constant 0 : index
    %swap3A_927 = tpu.vector_load %arg8[%swap3A_925, %swap3A_926] {strides = array<i32>} : memref<4x128xi32, #tpu.memory_space<vmem>>, vector<1x16xi32>,
    %swap3A_928 = vector.shape_cast %swap3A_927 : vector<1x16xi32> to vector<16xi32>
    %swap3A_929 = vector.shape_cast %add3A_923 : vector<16xi32> to vector<1x16xi32>
    tpu.vector_store %arg8[%swap3A_925, %swap3A_926], %swap3A_929 {strides = array<i32>} : memref<4x128xi32, #tpu.memory_space<vmem>>, vector<1x16xi32>,
    %get3A_930 = arith.constant 3 : i32
    %get3A_931 = arith.index_cast %get3A_930 : i32 to index
    %get3A_932 = arith.constant 16 : index
    %get3A_933 = tpu.vector_load %arg6[%get3A_931, %get3A_932] {strides = array<i32>} : memref<4x128xi32, #tpu.memory_space<vmem>>, vector<1x16xi32>,
    %get3A_934 = vector.shape_cast %get3A_933 : vector<1x16xi32> to vector<16xi32>
    %get3A_935 = arith.constant 3 : i32
    %get3A_936 = arith.index_cast %get3A_935 : i32 to index
    %get3A_937 = arith.constant 16 : index
    %get3A_938 = tpu.vector_load %arg7[%get3A_936, %get3A_937] {strides = array<i32>} : memref<4x128xi32, #tpu.memory_space<vmem>>, vector<1x16xi32>,
    %get3A_939 = vector.shape_cast %get3A_938 : vector<1x16xi32> to vector<16xi32>
    %shift_right_logical3A_940 = arith.constant 7 : i32
    %shift_right_logical3A_941 = vector.broadcast %shift_right_logical3A_940 : i32 to vector<16xi32>
    %shift_right_logical3A_942 = arith.shrui %get3A_939, %shift_right_logical3A_941 : vector<16xi32>
    %shift_left3A_943 = arith.constant 17 : i32
    %shift_left3A_944 = vector.broadcast %shift_left3A_943 : i32 to vector<16xi32>
    %shift_left3A_945 = arith.shli %shift_right_logical3A_942, %shift_left3A_944 : vector<16xi32>
    %shift_left3A_946 = arith.constant 7 : i32
    %shift_left3A_947 = vector.broadcast %shift_left3A_946 : i32 to vector<16xi32>
    %shift_left3A_948 = arith.shli %get3A_934, %shift_left3A_947 : vector<16xi32>
    %add3A_949 = arith.addi %shift_left3A_945, %shift_left3A_948 : vector<16xi32>
    %and3A_950 = arith.constant 127 : i32
    %and3A_951 = vector.broadcast %and3A_950 : i32 to vector<16xi32>
    %and3A_952 = arith.andi %get3A_939, %and3A_951 : vector<16xi32>
    %add3A_953 = arith.addi %add3A_949, %and3A_952 : vector<16xi32>
    %swap3A_954 = arith.constant 3 : i32
    %swap3A_955 = arith.index_cast %swap3A_954 : i32 to index
    %swap3A_956 = arith.constant 16 : index
    %swap3A_957 = tpu.vector_load %arg8[%swap3A_955, %swap3A_956] {strides = array<i32>} : memref<4x128xi32, #tpu.memory_space<vmem>>, vector<1x16xi32>,
    %swap3A_958 = vector.shape_cast %swap3A_957 : vector<1x16xi32> to vector<16xi32>
    %swap3A_959 = vector.shape_cast %add3A_953 : vector<16xi32> to vector<1x16xi32>
    tpu.vector_store %arg8[%swap3A_955, %swap3A_956], %swap3A_959 {strides = array<i32>} : memref<4x128xi32, #tpu.memory_space<vmem>>, vector<1x16xi32>,
    %get3A_960 = arith.constant 3 : i32
    %get3A_961 = arith.index_cast %get3A_960 : i32 to index
    %get3A_962 = arith.constant 32 : index
    %get3A_963 = tpu.vector_load %arg6[%get3A_961, %get3A_962] {strides = array<i32>} : memref<4x128xi32, #tpu.memory_space<vmem>>, vector<1x16xi32>,
    %get3A_964 = vector.shape_cast %get3A_963 : vector<1x16xi32> to vector<16xi32>
    %get3A_965 = arith.constant 3 : i32
    %get3A_966 = arith.index_cast %get3A_965 : i32 to index
    %get3A_967 = arith.constant 32 : index
    %get3A_968 = tpu.vector_load %arg7[%get3A_966, %get3A_967] {strides = array<i32>} : memref<4x128xi32, #tpu.memory_space<vmem>>, vector<1x16xi32>,
    %get3A_969 = vector.shape_cast %get3A_968 : vector<1x16xi32> to vector<16xi32>
    %shift_right_logical3A_970 = arith.constant 7 : i32
    %shift_right_logical3A_971 = vector.broadcast %shift_right_logical3A_970 : i32 to vector<16xi32>
    %shift_right_logical3A_972 = arith.shrui %get3A_969, %shift_right_logical3A_971 : vector<16xi32>
    %shift_left3A_973 = arith.constant 17 : i32
    %shift_left3A_974 = vector.broadcast %shift_left3A_973 : i32 to vector<16xi32>
    %shift_left3A_975 = arith.shli %shift_right_logical3A_972, %shift_left3A_974 : vector<16xi32>
    %shift_left3A_976 = arith.constant 7 : i32
    %shift_left3A_977 = vector.broadcast %shift_left3A_976 : i32 to vector<16xi32>
    %shift_left3A_978 = arith.shli %get3A_964, %shift_left3A_977 : vector<16xi32>
    %add3A_979 = arith.addi %shift_left3A_975, %shift_left3A_978 : vector<16xi32>
    %and3A_980 = arith.constant 127 : i32
    %and3A_981 = vector.broadcast %and3A_980 : i32 to vector<16xi32>
    %and3A_982 = arith.andi %get3A_969, %and3A_981 : vector<16xi32>
    %add3A_983 = arith.addi %add3A_979, %and3A_982 : vector<16xi32>
    %swap3A_984 = arith.constant 3 : i32
    %swap3A_985 = arith.index_cast %swap3A_984 : i32 to index
    %swap3A_986 = arith.constant 32 : index
    %swap3A_987 = tpu.vector_load %arg8[%swap3A_985, %swap3A_986] {strides = array<i32>} : memref<4x128xi32, #tpu.memory_space<vmem>>, vector<1x16xi32>,
    %swap3A_988 = vector.shape_cast %swap3A_987 : vector<1x16xi32> to vector<16xi32>
    %swap3A_989 = vector.shape_cast %add3A_983 : vector<16xi32> to vector<1x16xi32>
    tpu.vector_store %arg8[%swap3A_985, %swap3A_986], %swap3A_989 {strides = array<i32>} : memref<4x128xi32, #tpu.memory_space<vmem>>, vector<1x16xi32>,
    %get3A_990 = arith.constant 3 : i32
    %get3A_991 = arith.index_cast %get3A_990 : i32 to index
    %get3A_992 = arith.constant 48 : index
    %get3A_993 = tpu.vector_load %arg6[%get3A_991, %get3A_992] {strides = array<i32>} : memref<4x128xi32, #tpu.memory_space<vmem>>, vector<1x16xi32>,
    %get3A_994 = vector.shape_cast %get3A_993 : vector<1x16xi32> to vector<16xi32>
    %get3A_995 = arith.constant 3 : i32
    %get3A_996 = arith.index_cast %get3A_995 : i32 to index
    %get3A_997 = arith.constant 48 : index
    %get3A_998 = tpu.vector_load %arg7[%get3A_996, %get3A_997] {strides = array<i32>} : memref<4x128xi32, #tpu.memory_space<vmem>>, vector<1x16xi32>,
    %get3A_999 = vector.shape_cast %get3A_998 : vector<1x16xi32> to vector<16xi32>
    %shift_right_logical3A_1000 = arith.constant 7 : i32
    %shift_right_logical3A_1001 = vector.broadcast %shift_right_logical3A_1000 : i32 to vector<16xi32>
    %shift_right_logical3A_1002 = arith.shrui %get3A_999, %shift_right_logical3A_1001 : vector<16xi32>
    %shift_left3A_1003 = arith.constant 17 : i32
    %shift_left3A_1004 = vector.broadcast %shift_left3A_1003 : i32 to vector<16xi32>
    %shift_left3A_1005 = arith.shli %shift_right_logical3A_1002, %shift_left3A_1004 : vector<16xi32>
    %shift_left3A_1006 = arith.constant 7 : i32
    %shift_left3A_1007 = vector.broadcast %shift_left3A_1006 : i32 to vector<16xi32>
    %shift_left3A_1008 = arith.shli %get3A_994, %shift_left3A_1007 : vector<16xi32>
    %add3A_1009 = arith.addi %shift_left3A_1005, %shift_left3A_1008 : vector<16xi32>
    %and3A_1010 = arith.constant 127 : i32
    %and3A_1011 = vector.broadcast %and3A_1010 : i32 to vector<16xi32>
    %and3A_1012 = arith.andi %get3A_999, %and3A_1011 : vector<16xi32>
    %add3A_1013 = arith.addi %add3A_1009, %and3A_1012 : vector<16xi32>
    %swap3A_1014 = arith.constant 3 : i32
    %swap3A_1015 = arith.index_cast %swap3A_1014 : i32 to index
    %swap3A_1016 = arith.constant 48 : index
    %swap3A_1017 = tpu.vector_load %arg8[%swap3A_1015, %swap3A_1016] {strides = array<i32>} : memref<4x128xi32, #tpu.memory_space<vmem>>, vector<1x16xi32>,
    %swap3A_1018 = vector.shape_cast %swap3A_1017 : vector<1x16xi32> to vector<16xi32>
    %swap3A_1019 = vector.shape_cast %add3A_1013 : vector<16xi32> to vector<1x16xi32>
    tpu.vector_store %arg8[%swap3A_1015, %swap3A_1016], %swap3A_1019 {strides = array<i32>} : memref<4x128xi32, #tpu.memory_space<vmem>>, vector<1x16xi32>,
    %get3A_1020 = arith.constant 3 : i32
    %get3A_1021 = arith.index_cast %get3A_1020 : i32 to index
    %get3A_1022 = arith.constant 64 : index
    %get3A_1023 = tpu.vector_load %arg6[%get3A_1021, %get3A_1022] {strides = array<i32>} : memref<4x128xi32, #tpu.memory_space<vmem>>, vector<1x16xi32>,
    %get3A_1024 = vector.shape_cast %get3A_1023 : vector<1x16xi32> to vector<16xi32>
    %get3A_1025 = arith.constant 3 : i32
    %get3A_1026 = arith.index_cast %get3A_1025 : i32 to index
    %get3A_1027 = arith.constant 64 : index
    %get3A_1028 = tpu.vector_load %arg7[%get3A_1026, %get3A_1027] {strides = array<i32>} : memref<4x128xi32, #tpu.memory_space<vmem>>, vector<1x16xi32>,
    %get3A_1029 = vector.shape_cast %get3A_1028 : vector<1x16xi32> to vector<16xi32>
    %shift_right_logical3A_1030 = arith.constant 7 : i32
    %shift_right_logical3A_1031 = vector.broadcast %shift_right_logical3A_1030 : i32 to vector<16xi32>
    %shift_right_logical3A_1032 = arith.shrui %get3A_1029, %shift_right_logical3A_1031 : vector<16xi32>
    %shift_left3A_1033 = arith.constant 17 : i32
    %shift_left3A_1034 = vector.broadcast %shift_left3A_1033 : i32 to vector<16xi32>
    %shift_left3A_1035 = arith.shli %shift_right_logical3A_1032, %shift_left3A_1034 : vector<16xi32>
    %shift_left3A_1036 = arith.constant 7 : i32
    %shift_left3A_1037 = vector.broadcast %shift_left3A_1036 : i32 to vector<16xi32>
    %shift_left3A_1038 = arith.shli %get3A_1024, %shift_left3A_1037 : vector<16xi32>
    %add3A_1039 = arith.addi %shift_left3A_1035, %shift_left3A_1038 : vector<16xi32>
    %and3A_1040 = arith.constant 127 : i32
    %and3A_1041 = vector.broadcast %and3A_1040 : i32 to vector<16xi32>
    %and3A_1042 = arith.andi %get3A_1029, %and3A_1041 : vector<16xi32>
    %add3A_1043 = arith.addi %add3A_1039, %and3A_1042 : vector<16xi32>
    %swap3A_1044 = arith.constant 3 : i32
    %swap3A_1045 = arith.index_cast %swap3A_1044 : i32 to index
    %swap3A_1046 = arith.constant 64 : index
    %swap3A_1047 = tpu.vector_load %arg8[%swap3A_1045, %swap3A_1046] {strides = array<i32>} : memref<4x128xi32, #tpu.memory_space<vmem>>, vector<1x16xi32>,
    %swap3A_1048 = vector.shape_cast %swap3A_1047 : vector<1x16xi32> to vector<16xi32>
    %swap3A_1049 = vector.shape_cast %add3A_1043 : vector<16xi32> to vector<1x16xi32>
    tpu.vector_store %arg8[%swap3A_1045, %swap3A_1046], %swap3A_1049 {strides = array<i32>} : memref<4x128xi32, #tpu.memory_space<vmem>>, vector<1x16xi32>,
    %get3A_1050 = arith.constant 3 : i32
    %get3A_1051 = arith.index_cast %get3A_1050 : i32 to index
    %get3A_1052 = arith.constant 80 : index
    %get3A_1053 = tpu.vector_load %arg6[%get3A_1051, %get3A_1052] {strides = array<i32>} : memref<4x128xi32, #tpu.memory_space<vmem>>, vector<1x16xi32>,
    %get3A_1054 = vector.shape_cast %get3A_1053 : vector<1x16xi32> to vector<16xi32>
    %get3A_1055 = arith.constant 3 : i32
    %get3A_1056 = arith.index_cast %get3A_1055 : i32 to index
    %get3A_1057 = arith.constant 80 : index
    %get3A_1058 = tpu.vector_load %arg7[%get3A_1056, %get3A_1057] {strides = array<i32>} : memref<4x128xi32, #tpu.memory_space<vmem>>, vector<1x16xi32>,
    %get3A_1059 = vector.shape_cast %get3A_1058 : vector<1x16xi32> to vector<16xi32>
    %shift_right_logical3A_1060 = arith.constant 7 : i32
    %shift_right_logical3A_1061 = vector.broadcast %shift_right_logical3A_1060 : i32 to vector<16xi32>
    %shift_right_logical3A_1062 = arith.shrui %get3A_1059, %shift_right_logical3A_1061 : vector<16xi32>
    %shift_left3A_1063 = arith.constant 17 : i32
    %shift_left3A_1064 = vector.broadcast %shift_left3A_1063 : i32 to vector<16xi32>
    %shift_left3A_1065 = arith.shli %shift_right_logical3A_1062, %shift_left3A_1064 : vector<16xi32>
    %shift_left3A_1066 = arith.constant 7 : i32
    %shift_left3A_1067 = vector.broadcast %shift_left3A_1066 : i32 to vector<16xi32>
    %shift_left3A_1068 = arith.shli %get3A_1054, %shift_left3A_1067 : vector<16xi32>
    %add3A_1069 = arith.addi %shift_left3A_1065, %shift_left3A_1068 : vector<16xi32>
    %and3A_1070 = arith.constant 127 : i32
    %and3A_1071 = vector.broadcast %and3A_1070 : i32 to vector<16xi32>
    %and3A_1072 = arith.andi %get3A_1059, %and3A_1071 : vector<16xi32>
    %add3A_1073 = arith.addi %add3A_1069, %and3A_1072 : vector<16xi32>
    %swap3A_1074 = arith.constant 3 : i32
    %swap3A_1075 = arith.index_cast %swap3A_1074 : i32 to index
    %swap3A_1076 = arith.constant 80 : index
    %swap3A_1077 = tpu.vector_load %arg8[%swap3A_1075, %swap3A_1076] {strides = array<i32>} : memref<4x128xi32, #tpu.memory_space<vmem>>, vector<1x16xi32>,
    %swap3A_1078 = vector.shape_cast %swap3A_1077 : vector<1x16xi32> to vector<16xi32>
    %swap3A_1079 = vector.shape_cast %add3A_1073 : vector<16xi32> to vector<1x16xi32>
    tpu.vector_store %arg8[%swap3A_1075, %swap3A_1076], %swap3A_1079 {strides = array<i32>} : memref<4x128xi32, #tpu.memory_space<vmem>>, vector<1x16xi32>,
    %get3A_1080 = arith.constant 3 : i32
    %get3A_1081 = arith.index_cast %get3A_1080 : i32 to index
    %get3A_1082 = arith.constant 96 : index
    %get3A_1083 = tpu.vector_load %arg6[%get3A_1081, %get3A_1082] {strides = array<i32>} : memref<4x128xi32, #tpu.memory_space<vmem>>, vector<1x16xi32>,
    %get3A_1084 = vector.shape_cast %get3A_1083 : vector<1x16xi32> to vector<16xi32>
    %get3A_1085 = arith.constant 3 : i32
    %get3A_1086 = arith.index_cast %get3A_1085 : i32 to index
    %get3A_1087 = arith.constant 96 : index
    %get3A_1088 = tpu.vector_load %arg7[%get3A_1086, %get3A_1087] {strides = array<i32>} : memref<4x128xi32, #tpu.memory_space<vmem>>, vector<1x16xi32>,
    %get3A_1089 = vector.shape_cast %get3A_1088 : vector<1x16xi32> to vector<16xi32>
    %shift_right_logical3A_1090 = arith.constant 7 : i32
    %shift_right_logical3A_1091 = vector.broadcast %shift_right_logical3A_1090 : i32 to vector<16xi32>
    %shift_right_logical3A_1092 = arith.shrui %get3A_1089, %shift_right_logical3A_1091 : vector<16xi32>
    %shift_left3A_1093 = arith.constant 17 : i32
    %shift_left3A_1094 = vector.broadcast %shift_left3A_1093 : i32 to vector<16xi32>
    %shift_left3A_1095 = arith.shli %shift_right_logical3A_1092, %shift_left3A_1094 : vector<16xi32>
    %shift_left3A_1096 = arith.constant 7 : i32
    %shift_left3A_1097 = vector.broadcast %shift_left3A_1096 : i32 to vector<16xi32>
    %shift_left3A_1098 = arith.shli %get3A_1084, %shift_left3A_1097 : vector<16xi32>
    %add3A_1099 = arith.addi %shift_left3A_1095, %shift_left3A_1098 : vector<16xi32>
    %and3A_1100 = arith.constant 127 : i32
    %and3A_1101 = vector.broadcast %and3A_1100 : i32 to vector<16xi32>
    %and3A_1102 = arith.andi %get3A_1089, %and3A_1101 : vector<16xi32>
    %add3A_1103 = arith.addi %add3A_1099, %and3A_1102 : vector<16xi32>
    %swap3A_1104 = arith.constant 3 : i32
    %swap3A_1105 = arith.index_cast %swap3A_1104 : i32 to index
    %swap3A_1106 = arith.constant 96 : index
    %swap3A_1107 = tpu.vector_load %arg8[%swap3A_1105, %swap3A_1106] {strides = array<i32>} : memref<4x128xi32, #tpu.memory_space<vmem>>, vector<1x16xi32>,
    %swap3A_1108 = vector.shape_cast %swap3A_1107 : vector<1x16xi32> to vector<16xi32>
    %swap3A_1109 = vector.shape_cast %add3A_1103 : vector<16xi32> to vector<1x16xi32>
    tpu.vector_store %arg8[%swap3A_1105, %swap3A_1106], %swap3A_1109 {strides = array<i32>} : memref<4x128xi32, #tpu.memory_space<vmem>>, vector<1x16xi32>,
    %get3A_1110 = arith.constant 3 : i32
    %get3A_1111 = arith.index_cast %get3A_1110 : i32 to index
    %get3A_1112 = arith.constant 112 : index
    %get3A_1113 = tpu.vector_load %arg6[%get3A_1111, %get3A_1112] {strides = array<i32>} : memref<4x128xi32, #tpu.memory_space<vmem>>, vector<1x16xi32>,
    %get3A_1114 = vector.shape_cast %get3A_1113 : vector<1x16xi32> to vector<16xi32>
    %get3A_1115 = arith.constant 3 : i32
    %get3A_1116 = arith.index_cast %get3A_1115 : i32 to index
    %get3A_1117 = arith.constant 112 : index
    %get3A_1118 = tpu.vector_load %arg7[%get3A_1116, %get3A_1117] {strides = array<i32>} : memref<4x128xi32, #tpu.memory_space<vmem>>, vector<1x16xi32>,
    %get3A_1119 = vector.shape_cast %get3A_1118 : vector<1x16xi32> to vector<16xi32>
    %shift_right_logical3A_1120 = arith.constant 7 : i32
    %shift_right_logical3A_1121 = vector.broadcast %shift_right_logical3A_1120 : i32 to vector<16xi32>
    %shift_right_logical3A_1122 = arith.shrui %get3A_1119, %shift_right_logical3A_1121 : vector<16xi32>
    %shift_left3A_1123 = arith.constant 17 : i32
    %shift_left3A_1124 = vector.broadcast %shift_left3A_1123 : i32 to vector<16xi32>
    %shift_left3A_1125 = arith.shli %shift_right_logical3A_1122, %shift_left3A_1124 : vector<16xi32>
    %shift_left3A_1126 = arith.constant 7 : i32
    %shift_left3A_1127 = vector.broadcast %shift_left3A_1126 : i32 to vector<16xi32>
    %shift_left3A_1128 = arith.shli %get3A_1114, %shift_left3A_1127 : vector<16xi32>
    %add3A_1129 = arith.addi %shift_left3A_1125, %shift_left3A_1128 : vector<16xi32>
    %and3A_1130 = arith.constant 127 : i32
    %and3A_1131 = vector.broadcast %and3A_1130 : i32 to vector<16xi32>
    %and3A_1132 = arith.andi %get3A_1119, %and3A_1131 : vector<16xi32>
    %add3A_1133 = arith.addi %add3A_1129, %and3A_1132 : vector<16xi32>
    %swap3A_1134 = arith.constant 3 : i32
    %swap3A_1135 = arith.index_cast %swap3A_1134 : i32 to index
    %swap3A_1136 = arith.constant 112 : index
    %swap3A_1137 = tpu.vector_load %arg8[%swap3A_1135, %swap3A_1136] {strides = array<i32>} : memref<4x128xi32, #tpu.memory_space<vmem>>, vector<1x16xi32>,
    %swap3A_1138 = vector.shape_cast %swap3A_1137 : vector<1x16xi32> to vector<16xi32>
    %swap3A_1139 = vector.shape_cast %add3A_1133 : vector<16xi32> to vector<1x16xi32>
    tpu.vector_store %arg8[%swap3A_1135, %swap3A_1136], %swap3A_1139 {strides = array<i32>} : memref<4x128xi32, #tpu.memory_space<vmem>>, vector<1x16xi32>,
    %dma_start3A_1140 = arith.constant 3 : i32
    %dma_start3A_1141 = arith.constant 384 : i32
    %dma_start3A_1142 = tpu.memref_slice %arg9[%dma_start3A_1141] : memref<512xf32, #tpu.memory_space<vmem>> -> memref<128xf32, #tpu.memory_space<vmem>>
    %dma_start3A_1143 = arith.constant 0 : i32
    %dma_start3A_1144 = tpu.memref_slice %arg8[%dma_start3A_1140, %dma_start3A_1143] : memref<4x128xi32, #tpu.memory_space<vmem>> -> memref<1x128xi32, #tpu.memory_space<vmem>>
    %dma_start3A_1145 = tpu.memref_squeeze %dma_start3A_1144 : memref<1x128xi32, #tpu.memory_space<vmem>> -> memref<128xi32, #tpu.memory_space<vmem>>
    %dma_start3A_1146 = arith.constant 0 : i32
    %dma_start3A_1147 = tpu.memref_slice %arg4[%dma_start3A_1146] : memref<1048576xf32, #tpu.memory_space<hbm>> -> memref<1048576xf32, #tpu.memory_space<hbm>>
    tpu.enqueue_indirect_dma source(%dma_start3A_1147 : memref<1048576xf32, #tpu.memory_space<hbm>>) target(%dma_start3A_1142 : memref<128xf32, #tpu.memory_space<vmem>>) offsets(%dma_start3A_1145 : memref<128xi32, #tpu.memory_space<vmem>>) semaphore(%arg10 : memref<!tpu.dma_semaphore, #tpu.memory_space<semaphore_mem>>)
    %dma_wait3A_1148 = arith.constant 0 : i32
    %dma_wait3A_1149 = arith.constant 0 : i32
    %dma_wait3A_1150 = tpu.memref_slice %arg9[%dma_wait3A_1149] : memref<512xf32, #tpu.memory_space<vmem>> -> memref<128xf32, #tpu.memory_space<vmem>>
    %dma_wait3A_1151 = arith.constant 0 : i32
    %dma_wait3A_1152 = tpu.memref_slice %arg8[%dma_wait3A_1148, %dma_wait3A_1151] : memref<4x128xi32, #tpu.memory_space<vmem>> -> memref<1x128xi32, #tpu.memory_space<vmem>>
    %dma_wait3A_1153 = tpu.memref_squeeze %dma_wait3A_1152 : memref<1x128xi32, #tpu.memory_space<vmem>> -> memref<128xi32, #tpu.memory_space<vmem>>
    %dma_wait3A_1154 = arith.constant 0 : i32
    %dma_wait3A_1155 = tpu.memref_slice %arg4[%dma_wait3A_1154] : memref<1048576xf32, #tpu.memory_space<hbm>> -> memref<1048576xf32, #tpu.memory_space<hbm>>
    tpu.wait_indirect_dma semaphore(%arg10 : memref<!tpu.dma_semaphore, #tpu.memory_space<semaphore_mem>>) src(%dma_wait3A_1155 : memref<1048576xf32, #tpu.memory_space<hbm>>) dst(%dma_wait3A_1150 : memref<128xf32, #tpu.memory_space<vmem>>)
    %dma_wait3A_1156 = arith.constant 1 : i32
    %dma_wait3A_1157 = arith.constant 128 : i32
    %dma_wait3A_1158 = tpu.memref_slice %arg9[%dma_wait3A_1157] : memref<512xf32, #tpu.memory_space<vmem>> -> memref<128xf32, #tpu.memory_space<vmem>>
    %dma_wait3A_1159 = arith.constant 0 : i32
    %dma_wait3A_1160 = tpu.memref_slice %arg8[%dma_wait3A_1156, %dma_wait3A_1159] : memref<4x128xi32, #tpu.memory_space<vmem>> -> memref<1x128xi32, #tpu.memory_space<vmem>>
    %dma_wait3A_1161 = tpu.memref_squeeze %dma_wait3A_1160 : memref<1x128xi32, #tpu.memory_space<vmem>> -> memref<128xi32, #tpu.memory_space<vmem>>
    %dma_wait3A_1162 = arith.constant 0 : i32
    %dma_wait3A_1163 = tpu.memref_slice %arg4[%dma_wait3A_1162] : memref<1048576xf32, #tpu.memory_space<hbm>> -> memref<1048576xf32, #tpu.memory_space<hbm>>
    tpu.wait_indirect_dma semaphore(%arg10 : memref<!tpu.dma_semaphore, #tpu.memory_space<semaphore_mem>>) src(%dma_wait3A_1163 : memref<1048576xf32, #tpu.memory_space<hbm>>) dst(%dma_wait3A_1158 : memref<128xf32, #tpu.memory_space<vmem>>)
    %dma_wait3A_1164 = arith.constant 2 : i32
    %dma_wait3A_1165 = arith.constant 256 : i32
    %dma_wait3A_1166 = tpu.memref_slice %arg9[%dma_wait3A_1165] : memref<512xf32, #tpu.memory_space<vmem>> -> memref<128xf32, #tpu.memory_space<vmem>>
    %dma_wait3A_1167 = arith.constant 0 : i32
    %dma_wait3A_1168 = tpu.memref_slice %arg8[%dma_wait3A_1164, %dma_wait3A_1167] : memref<4x128xi32, #tpu.memory_space<vmem>> -> memref<1x128xi32, #tpu.memory_space<vmem>>
    %dma_wait3A_1169 = tpu.memref_squeeze %dma_wait3A_1168 : memref<1x128xi32, #tpu.memory_space<vmem>> -> memref<128xi32, #tpu.memory_space<vmem>>
    %dma_wait3A_1170 = arith.constant 0 : i32
    %dma_wait3A_1171 = tpu.memref_slice %arg4[%dma_wait3A_1170] : memref<1048576xf32, #tpu.memory_space<hbm>> -> memref<1048576xf32, #tpu.memory_space<hbm>>
    tpu.wait_indirect_dma semaphore(%arg10 : memref<!tpu.dma_semaphore, #tpu.memory_space<semaphore_mem>>) src(%dma_wait3A_1171 : memref<1048576xf32, #tpu.memory_space<hbm>>) dst(%dma_wait3A_1166 : memref<128xf32, #tpu.memory_space<vmem>>)
    %dma_wait3A_1172 = arith.constant 3 : i32
    %dma_wait3A_1173 = arith.constant 384 : i32
    %dma_wait3A_1174 = tpu.memref_slice %arg9[%dma_wait3A_1173] : memref<512xf32, #tpu.memory_space<vmem>> -> memref<128xf32, #tpu.memory_space<vmem>>
    %dma_wait3A_1175 = arith.constant 0 : i32
    %dma_wait3A_1176 = tpu.memref_slice %arg8[%dma_wait3A_1172, %dma_wait3A_1175] : memref<4x128xi32, #tpu.memory_space<vmem>> -> memref<1x128xi32, #tpu.memory_space<vmem>>
    %dma_wait3A_1177 = tpu.memref_squeeze %dma_wait3A_1176 : memref<1x128xi32, #tpu.memory_space<vmem>> -> memref<128xi32, #tpu.memory_space<vmem>>
    %dma_wait3A_1178 = arith.constant 0 : i32
    %dma_wait3A_1179 = tpu.memref_slice %arg4[%dma_wait3A_1178] : memref<1048576xf32, #tpu.memory_space<hbm>> -> memref<1048576xf32, #tpu.memory_space<hbm>>
    tpu.wait_indirect_dma semaphore(%arg10 : memref<!tpu.dma_semaphore, #tpu.memory_space<semaphore_mem>>) src(%dma_wait3A_1179 : memref<1048576xf32, #tpu.memory_space<hbm>>) dst(%dma_wait3A_1174 : memref<128xf32, #tpu.memory_space<vmem>>)
    "tpu.region"() ({
      %run_scoped3A = tpu.sem_alloc : memref<!tpu.dma_semaphore, #tpu.memory_space<semaphore_mem>>
      %dma_start3A_1180 = tpu.memref_slice %arg5[%mul3A_2] : memref<16384xf32, #tpu.memory_space<hbm>> -> memref<512xf32, #tpu.memory_space<hbm>>
      %dma_start3A_1181 = tpu.memref_slice %arg5[%mul3A_2] : memref<16384xf32, #tpu.memory_space<hbm>> -> memref<512xf32, #tpu.memory_space<hbm>>
      tpu.enqueue_dma source(%arg9 : memref<512xf32, #tpu.memory_space<vmem>>) target(%dma_start3A_1181 : memref<512xf32, #tpu.memory_space<hbm>>) target_semaphore(%run_scoped3A : memref<!tpu.dma_semaphore, #tpu.memory_space<semaphore_mem>>)
      %dma_wait3A_1182 = tpu.memref_slice %arg5[%mul3A_2] : memref<16384xf32, #tpu.memory_space<hbm>> -> memref<512xf32, #tpu.memory_space<hbm>>
      %dma_wait3A_1183 = tpu.memref_slice %arg5[%mul3A_2] : memref<16384xf32, #tpu.memory_space<hbm>> -> memref<512xf32, #tpu.memory_space<hbm>>
      tpu.wait_dma2 semaphore(%run_scoped3A : memref<!tpu.dma_semaphore, #tpu.memory_space<semaphore_mem>>) src(%arg9 : memref<512xf32, #tpu.memory_space<vmem>>) dst(%dma_wait3A_1183 : memref<512xf32, #tpu.memory_space<hbm>>)
      tpu.yield
    }) : () -> ()
    return
  }
}

module attributes {stable_mosaic.version = 14 : i64} {
  func.func @_tc_body(%arg0: memref<1000x128xf32, #tpu.memory_space<vmem>>, %arg1: memref<8192x128xf32, #tpu.memory_space<vmem>>) attributes {dimension_semantics = [], scalar_prefetch = 0 : i64, scratch_operands = 0 : i64, tpu.core_type = #tpu.core_type<tc>} {
    %get3A = arith.constant 0 : index
    %get3A_0 = arith.constant 0 : index
    %get3A_1 = vector.load %arg0[%get3A, %get3A_0] : memref<1000x128xf32, #tpu.memory_space<vmem>>, vector<1000x128xf32>
    %mul3A = arith.mulf %get3A_1, %get3A_1 : vector<1000x128xf32>
    %reduce_sum3A = arith.constant dense<0.000000e+00> : vector<1000xf32>
    %reduce_sum3A_2 = vector.multi_reduction <add>, %mul3A, %reduce_sum3A [1] : vector<1000x128xf32> to vector<1000xf32>
    %broadcast_in_dim3A = vector.shape_cast %reduce_sum3A_2 : vector<1000xf32> to vector<1000x1xf32>
    %max3A = arith.constant 9.99999996E-13 : f32
    %max3A_3 = vector.broadcast %max3A : f32 to vector<1000x1xf32>
    %max3A_4 = arith.maximumf %broadcast_in_dim3A, %max3A_3 : vector<1000x1xf32>
    %rsqrt3A = math.rsqrt %max3A_4 : vector<1000x1xf32>
    %mul3A_5 = vector.broadcast %rsqrt3A : vector<1000x1xf32> to vector<1000x128xf32>
    %mul3A_6 = arith.mulf %get3A_1, %mul3A_5 : vector<1000x128xf32>
    %broadcast_in_dim3A_7 = arith.constant 0.000000e+00 : f32
    %broadcast_in_dim3A_8 = vector.broadcast %broadcast_in_dim3A_7 : f32 to vector<24x128xf32>
    %concatenate3A = tpu.concatenate %mul3A_6, %broadcast_in_dim3A_8 in 0 : vector<1000x128xf32>, vector<24x128xf32> -> vector<1024x128xf32>
    %slice3A = vector.extract_strided_slice %concatenate3A {offsets = [0, 0], sizes = [128, 128], strides = [1, 1]} : vector<1024x128xf32> to vector<128x128xf32>
    %dot_general3A = arith.constant dense<0.000000e+00> : vector<1000x128xf32>
    %dot_general3A_9 = tpu.matmul %mul3A_6, %slice3A, %dot_general3A {dimension_numbers = #tpu.dot_dimension_numbers<[1], [1], [0], [0], [0, 0, 1, 0], [], []>, transpose_lhs_hint = false} : vector<1000x128xf32>, vector<128x128xf32>, vector<1000x128xf32> -> vector<1000x128xf32>
    %swap3A = arith.constant 0 : index
    %swap3A_10 = arith.constant 0 : index
    %swap3A_11 = vector.load %arg1[%swap3A, %swap3A_10] : memref<8192x128xf32, #tpu.memory_space<vmem>>, vector<1000x128xf32>
    tpu.vector_store %arg1[%swap3A, %swap3A_10], %dot_general3A_9 {strides = array<i32>} : memref<8192x128xf32, #tpu.memory_space<vmem>>, vector<1000x128xf32>,
    %slice3A_12 = vector.extract_strided_slice %concatenate3A {offsets = [128, 0], sizes = [128, 128], strides = [1, 1]} : vector<1024x128xf32> to vector<128x128xf32>
    %dot_general3A_13 = arith.constant dense<0.000000e+00> : vector<1000x128xf32>
    %dot_general3A_14 = tpu.matmul %mul3A_6, %slice3A_12, %dot_general3A_13 {dimension_numbers = #tpu.dot_dimension_numbers<[1], [1], [0], [0], [0, 0, 1, 0], [], []>, transpose_lhs_hint = false} : vector<1000x128xf32>, vector<128x128xf32>, vector<1000x128xf32> -> vector<1000x128xf32>
    %swap3A_15 = arith.constant 1024 : index
    %swap3A_16 = arith.constant 0 : index
    %swap3A_17 = vector.load %arg1[%swap3A_15, %swap3A_16] : memref<8192x128xf32, #tpu.memory_space<vmem>>, vector<1000x128xf32>
    tpu.vector_store %arg1[%swap3A_15, %swap3A_16], %dot_general3A_14 {strides = array<i32>} : memref<8192x128xf32, #tpu.memory_space<vmem>>, vector<1000x128xf32>,
    %slice3A_18 = vector.extract_strided_slice %concatenate3A {offsets = [256, 0], sizes = [128, 128], strides = [1, 1]} : vector<1024x128xf32> to vector<128x128xf32>
    %dot_general3A_19 = arith.constant dense<0.000000e+00> : vector<1000x128xf32>
    %dot_general3A_20 = tpu.matmul %mul3A_6, %slice3A_18, %dot_general3A_19 {dimension_numbers = #tpu.dot_dimension_numbers<[1], [1], [0], [0], [0, 0, 1, 0], [], []>, transpose_lhs_hint = false} : vector<1000x128xf32>, vector<128x128xf32>, vector<1000x128xf32> -> vector<1000x128xf32>
    %swap3A_21 = arith.constant 2048 : index
    %swap3A_22 = arith.constant 0 : index
    %swap3A_23 = vector.load %arg1[%swap3A_21, %swap3A_22] : memref<8192x128xf32, #tpu.memory_space<vmem>>, vector<1000x128xf32>
    tpu.vector_store %arg1[%swap3A_21, %swap3A_22], %dot_general3A_20 {strides = array<i32>} : memref<8192x128xf32, #tpu.memory_space<vmem>>, vector<1000x128xf32>,
    %slice3A_24 = vector.extract_strided_slice %concatenate3A {offsets = [384, 0], sizes = [128, 128], strides = [1, 1]} : vector<1024x128xf32> to vector<128x128xf32>
    %dot_general3A_25 = arith.constant dense<0.000000e+00> : vector<1000x128xf32>
    %dot_general3A_26 = tpu.matmul %mul3A_6, %slice3A_24, %dot_general3A_25 {dimension_numbers = #tpu.dot_dimension_numbers<[1], [1], [0], [0], [0, 0, 1, 0], [], []>, transpose_lhs_hint = false} : vector<1000x128xf32>, vector<128x128xf32>, vector<1000x128xf32> -> vector<1000x128xf32>
    %swap3A_27 = arith.constant 3072 : index
    %swap3A_28 = arith.constant 0 : index
    %swap3A_29 = vector.load %arg1[%swap3A_27, %swap3A_28] : memref<8192x128xf32, #tpu.memory_space<vmem>>, vector<1000x128xf32>
    tpu.vector_store %arg1[%swap3A_27, %swap3A_28], %dot_general3A_26 {strides = array<i32>} : memref<8192x128xf32, #tpu.memory_space<vmem>>, vector<1000x128xf32>,
    %slice3A_30 = vector.extract_strided_slice %concatenate3A {offsets = [512, 0], sizes = [128, 128], strides = [1, 1]} : vector<1024x128xf32> to vector<128x128xf32>
    %dot_general3A_31 = arith.constant dense<0.000000e+00> : vector<1000x128xf32>
    %dot_general3A_32 = tpu.matmul %mul3A_6, %slice3A_30, %dot_general3A_31 {dimension_numbers = #tpu.dot_dimension_numbers<[1], [1], [0], [0], [0, 0, 1, 0], [], []>, transpose_lhs_hint = false} : vector<1000x128xf32>, vector<128x128xf32>, vector<1000x128xf32> -> vector<1000x128xf32>
    %swap3A_33 = arith.constant 4096 : index
    %swap3A_34 = arith.constant 0 : index
    %swap3A_35 = vector.load %arg1[%swap3A_33, %swap3A_34] : memref<8192x128xf32, #tpu.memory_space<vmem>>, vector<1000x128xf32>
    tpu.vector_store %arg1[%swap3A_33, %swap3A_34], %dot_general3A_32 {strides = array<i32>} : memref<8192x128xf32, #tpu.memory_space<vmem>>, vector<1000x128xf32>,
    %slice3A_36 = vector.extract_strided_slice %concatenate3A {offsets = [640, 0], sizes = [128, 128], strides = [1, 1]} : vector<1024x128xf32> to vector<128x128xf32>
    %dot_general3A_37 = arith.constant dense<0.000000e+00> : vector<1000x128xf32>
    %dot_general3A_38 = tpu.matmul %mul3A_6, %slice3A_36, %dot_general3A_37 {dimension_numbers = #tpu.dot_dimension_numbers<[1], [1], [0], [0], [0, 0, 1, 0], [], []>, transpose_lhs_hint = false} : vector<1000x128xf32>, vector<128x128xf32>, vector<1000x128xf32> -> vector<1000x128xf32>
    %swap3A_39 = arith.constant 5120 : index
    %swap3A_40 = arith.constant 0 : index
    %swap3A_41 = vector.load %arg1[%swap3A_39, %swap3A_40] : memref<8192x128xf32, #tpu.memory_space<vmem>>, vector<1000x128xf32>
    tpu.vector_store %arg1[%swap3A_39, %swap3A_40], %dot_general3A_38 {strides = array<i32>} : memref<8192x128xf32, #tpu.memory_space<vmem>>, vector<1000x128xf32>,
    %slice3A_42 = vector.extract_strided_slice %concatenate3A {offsets = [768, 0], sizes = [128, 128], strides = [1, 1]} : vector<1024x128xf32> to vector<128x128xf32>
    %dot_general3A_43 = arith.constant dense<0.000000e+00> : vector<1000x128xf32>
    %dot_general3A_44 = tpu.matmul %mul3A_6, %slice3A_42, %dot_general3A_43 {dimension_numbers = #tpu.dot_dimension_numbers<[1], [1], [0], [0], [0, 0, 1, 0], [], []>, transpose_lhs_hint = false} : vector<1000x128xf32>, vector<128x128xf32>, vector<1000x128xf32> -> vector<1000x128xf32>
    %swap3A_45 = arith.constant 6144 : index
    %swap3A_46 = arith.constant 0 : index
    %swap3A_47 = vector.load %arg1[%swap3A_45, %swap3A_46] : memref<8192x128xf32, #tpu.memory_space<vmem>>, vector<1000x128xf32>
    tpu.vector_store %arg1[%swap3A_45, %swap3A_46], %dot_general3A_44 {strides = array<i32>} : memref<8192x128xf32, #tpu.memory_space<vmem>>, vector<1000x128xf32>,
    %slice3A_48 = vector.extract_strided_slice %concatenate3A {offsets = [896, 0], sizes = [128, 128], strides = [1, 1]} : vector<1024x128xf32> to vector<128x128xf32>
    %dot_general3A_49 = arith.constant dense<0.000000e+00> : vector<1000x128xf32>
    %dot_general3A_50 = tpu.matmul %mul3A_6, %slice3A_48, %dot_general3A_49 {dimension_numbers = #tpu.dot_dimension_numbers<[1], [1], [0], [0], [0, 0, 1, 0], [], []>, transpose_lhs_hint = false} : vector<1000x128xf32>, vector<128x128xf32>, vector<1000x128xf32> -> vector<1000x128xf32>
    %swap3A_51 = arith.constant 7168 : index
    %swap3A_52 = arith.constant 0 : index
    %swap3A_53 = vector.load %arg1[%swap3A_51, %swap3A_52] : memref<8192x128xf32, #tpu.memory_space<vmem>>, vector<1000x128xf32>
    tpu.vector_store %arg1[%swap3A_51, %swap3A_52], %dot_general3A_50 {strides = array<i32>} : memref<8192x128xf32, #tpu.memory_space<vmem>>, vector<1000x128xf32>,
    return
  }
}

</mosaic_0001>

<sc_bundles>
// kernel: kernel.4.cloned.1.call-start
scs
__scs_entry_jumppad:
0x0: {  	(pc) =	sbr.rel $0x88, $3  }
0x1: {  	(tag) =	ssettag $0x0;
	lr =	simm.s32 $0x1  }
0x2: {  	[smem:$0x3F9E] =	sst lr;
	_ =	strace $0xD0000000  }
0x3: {  	_ = 	snop  }
0x4: {  	_ = 	snop  }
0x5: {  	_ = 	snop  }
0x6: {  	_ = 	snop  }
0x7: {  	_ = 	snop  }
__scs_overlays_trampoline_lowered:
0x8: {  	[smem:$0x3FAD] =	sst s0  }
0x9: {  	[smem:$0x3FAE] =	sst s1  }
0xa: {  	[smem:$0x3FAF] =	sst s2  }
0xb: {  	[smem:$0x3FB0] =	sst s3  }
0xc: {  	[smem:$0x3FB1] =	sst s4  }
0xd: {  	[smem:$0x3FB2] =	sst s5  }
0xe: {  	[smem:$0x3FB3] =	sst s6  }
0xf: {  	[smem:$0x3FB4] =	sst s7  }
0x10: {  	[smem:$0x3FB5] =	sst s8  }
0x11: {  	[smem:$0x3FB6] =	sst s9;
	s0 =	simm.s32 @!p0 $0x0  }
0x12: {  	s1 =	sld [smem:$0x3F9C];
	s0 =	simm.s32 @p0 $0x1  }
0x13: {  	[smem:$0x3FB7] =	sst s0;
	s0 =	simm.s32 @!p1 $0x0  }
0x14: {  	s2 =	sld [smem:$0x3F9B];
	s0 =	simm.s32 @p1 $0x1  }
0x15: {  	[smem:$0x3FB8] =	sst s0;
	s0 =	simm.s32 @!p2 $0x0  }
0x16: {  	s3 =	sld [smem:$0x3FDB];
	s0 =	simm.s32 @p2 $0x1  }
0x17: {  	s4 =	simm.s32 $0x1BF5;
	[smem:$0x3FBA] =	sst s0  }
0x18: {  	s0 =	sld [smem:$0x3F9D];
	_ =	swait.ge [sflag:s4], $0x0  }
0x19: {  	s7 =	sld [smem:$0x3F9E]  }
0x1a: {  	s8 =	sadd.s32 $0xFFFFE003, lr  }
0x1b: {  	s9 =	sadd.s32 $0xFFFFFEF7, lr;
	s5 =	simm.s32 $0xFFFFFFFF;
	p2 =	slt.u32 s8, $0xFFFFF086  }
0x1c: {  	p1 =	slt.u32 s9, $0xF7A;
	s5 =	simm.s32 @!p2 $0x0  }
0x1d: {  	s5 =	simm.s32 @p1 $0x1;
	p0 =	seq.s32 s7, s2  }
0x1e: {  	s7 =	smul.u32 @!p0 $0xF7A, s2;
	p2 =	seq.s32 @!p0 s5, $0x0  }
0x1f: {  	s9 =	smul.u32 $0xF7A, s1;
	s8 =	simm.s32 @!p0 $0x1BF5;
	p2 =	por !p2, p0  }
0x20: {  	[sflag:s8] =	ssyncset.s32 @!p0 $0xFFFFF086;
	s6 =	sadd.s32 @!p0 s3, s7;
	s7 =	simm.s32 @!p0 $0x108  }
0x21: {  	s3 =	sadd.s32 s3, s9;
	s6 =	sadd.s32 @!p0 $0x88, s6;
	s7 =	simm.s32 @p2 $0x1082  }
0x22: {  	[simem:s7], [sflag:s8] =	dma.local @!p0 [hbm:s6], $0xF7A  }
0x23: {  	s9 =	sor.u32 $0xD0000000, s2;
	s6 =	simm.s32 $0x108;
	_ =	swait.ge @!p0 [sflag:s8], $0x0  }
0x24: {  	s3 =	sadd.s32 $0x88, s3;
	s6 =	simm.s32 @!p1 $0x1082;
	[sflag:s4] =	ssyncset.s32 $0xFFFFF086  }
0x25: {  	[simem:s6], [sflag:s4] =	dma.local [hbm:s3], $0xF7A  }
0x26: {  	[smem:$0x3F9E] =	sst s1;
	(tag) =	ssettag s2;
	_ =	strace s9  }
0x27: {  	s1 =	sld [smem:$0x3FAE]  }
0x28: {  	s2 =	sld [smem:$0x3FAF]  }
0x29: {  	s4 =	sld [smem:$0x3FB1]  }
0x2a: {  	p0 =	seq.s32 s5, $0x0;
	s5 =	sld [smem:$0x3FB2]  }
0x2b: {  	s6 =	sld [smem:$0x3FB3]  }
0x2c: {  	s7 =	sld [smem:$0x3FB4]  }
0x2d: {  	s3 =	simm.s32 $0x108;
	s8 =	sld [smem:$0x3FB5]  }
0x2e: {  	s3 =	simm.s32 @!p0 $0x1082;
	s9 =	sld [smem:$0x3FB6]  }
0x2f: {  	lr =	sadd.s32 s0, s3;
	s0 =	sld [smem:$0x3FAD]  }
0x30: {  	s3 =	sld [smem:$0x3FB0]  }
0x31: {  	[smem:$0x3FB9] =	sst s10  }
0x32: {  	s10 =	sld [smem:$0x3FB7];
	_ =	sdelay $0x3  }
0x33: {  	p0 =	seq.s32 s10, $0x1;
	s10 =	sld [smem:$0x3FB9];
	_ =	sdelay $0x3  }
0x34: {  	[smem:$0x3FB9] =	sst s10  }
0x35: {  	s10 =	sld [smem:$0x3FB8];
	_ =	sdelay $0x3  }
0x36: {  	p1 =	seq.s32 s10, $0x1;
	s10 =	sld [smem:$0x3FB9];
	_ =	sdelay $0x3  }
0x37: {  	[smem:$0x3FB9] =	sst s10  }
0x38: {  	s10 =	sld [smem:$0x3FBA]  }
0x39: {  	_ = 	snop;
	(pc) =	sbr.ind lr, $3  }
0x3a: {  	_ = 	snop  }
0x3b: {  	_ = 	snop  }
0x3c: {  	p2 =	seq.s32 s10, $0x1;
	s10 =	sld [smem:$0x3FB9]  }
0x3d: {  	_ =	shalt  }
0x3e: {  	_ =	shalt  }
0x3f: {  	_ =	shalt  }
0x40: {  	_ =	shalt  }
0x41: {  	_ =	shalt  }
0x42: {  	_ =	shalt  }
0x43: {  	_ =	shalt  }
0x44: {  	_ =	shalt  }
0x45: {  	_ =	shalt  }
0x46: {  	_ =	shalt  }
0x47: {  	_ =	shalt  }
0x48: {  	_ =	shalt  }
0x49: {  	_ =	shalt  }
0x4a: {  	_ =	shalt  }
0x4b: {  	_ =	shalt  }
0x4c: {  	_ =	shalt  }
0x4d: {  	_ =	shalt  }
0x4e: {  	_ =	shalt  }
0x4f: {  	_ =	shalt  }
0x50: {  	_ =	shalt  }
0x51: {  	_ =	shalt  }
0x52: {  	_ =	shalt  }
0x53: {  	_ =	shalt  }
0x54: {  	_ =	shalt  }
0x55: {  	_ =	shalt  }
0x56: {  	_ =	shalt  }
0x57: {  	_ =	shalt  }
0x58: {  	_ =	shalt  }
0x59: {  	_ =	shalt  }
0x5a: {  	_ =	shalt  }
0x5b: {  	_ =	shalt  }
0x5c: {  	_ =	shalt  }
0x5d: {  	_ =	shalt  }
0x5e: {  	_ =	shalt  }
0x5f: {  	_ =	shalt  }
0x60: {  	_ =	shalt  }
0x61: {  	_ =	shalt  }
0x62: {  	_ =	shalt  }
0x63: {  	_ =	shalt  }
0x64: {  	_ =	shalt  }
0x65: {  	_ =	shalt  }
0x66: {  	_ =	shalt  }
0x67: {  	_ =	shalt  }
0x68: {  	_ =	shalt  }
0x69: {  	_ =	shalt  }
0x6a: {  	_ =	shalt  }
0x6b: {  	_ =	shalt  }
0x6c: {  	_ =	shalt  }
0x6d: {  	_ =	shalt  }
0x6e: {  	_ =	shalt  }
0x6f: {  	_ =	shalt  }
0x70: {  	_ =	shalt  }
0x71: {  	_ =	shalt  }
0x72: {  	_ =	shalt  }
0x73: {  	_ =	shalt  }
0x74: {  	_ =	shalt  }
0x75: {  	_ =	shalt  }
0x76: {  	_ =	shalt  }
0x77: {  	_ =	shalt  }
0x78: {  	_ =	shalt  }
0x79: {  	_ =	shalt  }
0x7a: {  	_ =	shalt  }
0x7b: {  	_ =	shalt  }
0x7c: {  	_ =	shalt  }
0x7d: {  	_ =	shalt  }
0x7e: {  	_ =	shalt  }
0x7f: {  	_ =	shalt  }
0x80: {  	_ =	shalt  }
0x81: {  	_ =	shalt  }
0x82: {  	_ =	shalt  }
0x83: {  	_ =	shalt  }
0x84: {  	_ =	shalt  }
0x85: {  	_ =	shalt  }
0x86: {  	_ =	shalt  }
0x87: {  	_ =	shalt  }
.Lfunc_end0:
.L_simem_size_0:
called_computation_lowered:
.L_overlay_start_0:
0x88: {  	s2 =	sld [smem:$0x3FD9]  }
0x89: {  	s3 =	sld [smem:$0x3FFE];
	_ =	sdelay $0x1  }
0x8a: {  	s1 =	srdreg.scid  }
0x8b: {  	s0 =	sand.u32 $0x1, s1  }
0x8c: {  	s17 =	sshll.u32 s0, $0xA;
	s2 =	sadd.s32 s3, s2  }
0x8d: {  	s2 =	sadd.s32 s2, s17  }
0x8e: {  	[smem:$0x3FC5] =	sst s2  }
0x8f: {  	_ = 	snop  }
0x90: {  	s2 =	sld [smem:$0x3FC9]  }
0x91: {  	s18 =	sld [smem:$0x3FC8]  }
0x92: {  	s4 =	sld [smem:$0x3FD0];
	(tm) =	ssettm $0x1  }
0x93: {  	s5 =	sld [smem:$0x3FFB];
	_ =	sdelay $0x3  }
0x94: {  	_ =	strace s5  }
0x95: {  	s5 =	sld [smem:$0x3FFC];
	_ =	sdelay $0x3  }
0x96: {  	_ =	strace s5  }
0x97: {  	s5 =	sld [smem:$0x3FFD];
	_ =	sdelay $0x3  }
0x98: {  	_ =	strace s5  }
0x99: {  	_ =	strace $0x8FFFFFFF  }
0x9a: {  	s19 =	sld [smem:$0x3FDB];
	_ =	sdelay $0x1  }
0x9b: {  	s6 =	simm.s32 $_scs_section_size  }
0x9c: {  	s7 =	simm.s32 $_size__tile_overlayer_lowered;
	s8 =	simm.s32 $_tile_overlayer_lowered  }
0x9d: {  	s22 =	simm.s32 $0x1BFF;
	s21 =	sshll.u32 s8, $0x1;
	s5 =	sadd.s32 s6, s19  }
0x9e: {  	s9 =	simm.s32 $0x0;
	s20 =	sshll.u32 s7, $0x1;
	s7 =	sadd.s32 s21, s5  }
0x9f: {  	[timem:s9], [sflag:s22] =	dma.local [hbm:s7], s20  }
0xa0: {  	_ =	swait.ge [sflag:s22], s20  }
0xa1: {  	s6 =	ssub.s32 $0x0, s20;
	[sflag:s22] =	ssyncset.done $0x0  }
0xa2: {  	[sflag:s22] =	ssyncadd.s32 s6;
	_ =	sdelay $0x1  }
0xa3: {  	s23 =	simm.s32 $0x1B8B  }
0xa4: {  	_ =	swait.ge [sflag:s23], $0x1  }
0xa5: {  	[sflag:s23] =	ssyncset.done $0x0  }
0xa6: {  	s25 =	simm.s32 $0x1B8E;
	s24 =	sld [smem:$0x3FFE];
	[sflag:s23] =	ssyncadd.s32 $0xFFFFFFFF  }
0xa7: {  	s26 =	simm.s32 $execute0_lowered;
	[smem:$0x3FD2] =	sst s25  }
0xa8: {  	s7 =	sshll.u32 s26, $0x1;
	_ =	strace $0x80000046;
	[dreg:$0x1] =	wrdreg $0xFFFFFFFF  }
0xa9: {  	s28 =	simm.s32 $_size_execute0_lowered;
	s5 =	sadd.s32 s5, s7;
	[dreg:$0x0] =	wrdreg $0x0  }
0xaa: {  	s7 =	sshll.u32 s28, $0x1;
	[dreg:$0x2] =	wrdreg s5  }
0xab: {  	[dreg:$0x3] =	wrdreg s7  }
0xac: {  	[dreg:$0x4] =	wrdreg $0xC0  }
0xad: {  	_ =	task [dreg:s9], $0x5FFFF  }
0xae: {  	[dreg:$0x1] =	wrdreg $0xFFFFFFFF  }
0xaf: {  	[dreg:$0x0] =	wrdreg $0x60  }
0xb0: {  	[dreg:$0x2] =	wrdreg s2  }
0xb1: {  	[dreg:$0x3] =	wrdreg s18  }
0xb2: {  	[dreg:$0x4] =	wrdreg s24  }
0xb3: {  	[dreg:$0x5] =	wrdreg s4  }
0xb4: {  	[dreg:$0x6] =	wrdreg $0x9  }
0xb5: {  	_ =	task.clear_ibuf [dreg:s9], $0x7FFFF;
	_ =	strace $0x90000046  }
0xb6: {  	s29 =	simm.s32 $0x9;
	_ =	strace $0x80000048  }
0xb7: {  	_ =	swait.ge [sflag:s29], $0x1  }
0xb8: {  	[sflag:s29] =	ssyncadd.s32 $0xFFFFFFFF  }
0xb9: {  	_ =	strace $0x90000048  }
0xba: {  	_ =	sfence  }
0xbb: {  	s30 =	sld [smem:$0x0];
	_ =	sdelay $0x2  }
0xbc: {  	s31 =	sshll.u32 s1, $0xD;
	s1 =	sshrl.u32 s1, $0x2  }
0xbd: {  	s3 =	sand.u32 $0x4000, s31;
	s1 =	sadd.s32 s1, s30  }
0xbe: {  	s0 =	sor.u32 s3, s0;
	s1 =	sshll.u32 s1, $0x11  }
0xbf: {  	s0 =	sor.u32 s1, s0  }
0xc0: {  	s0 =	sadd.s32 $0x8F2B, s0  }
0xc1: {  	[sflag:s0] =	ssyncadd.remote.s32 $0x1  }
0xc2: {  	_ =	sfence.sel $0xFFFF  }
0xc3: {  	[dreg:$0x0] =	wrdreg $0xFFFFFFFF;
	(pc) =	sbr.abs _section_cstart, $3  }
0xc4: {  	[dreg:$0x1] =	wrdreg $0xFFFFFFFF  }
0xc5: {  	_ =	task.clear_ibuf [dreg:s9], $0x2FFFF;
	_ =	strace $0x9FFFFFFF  }
0xc6: {  	(tm) =	ssettm $0x7FFFFFFF  }
0xc7: {  	_ =	shalt  }
tec
execute0_lowered:
.L_overlay_start_1:
0x0: {  	(tag) =	ssettag $0x1  }
0x1: {  	s9 =	rddreg [dreg:$0x0]  }
0x2: {  	s10 =	rddreg [dreg:$0x1]  }
0x3: {  	s3 =	rddreg [dreg:$0x2]  }
0x4: {  	s11 =	rddreg [dreg:$0x3]  }
0x5: {  	s2 =	simm.s32 $0x0;
	s4 =	srdreg.scid;
	s1 =	stileid.u32  }
0x6: {  	s15 =	simm.s32 $0x280;
	s16 =	simm.s32 $0x100;
	s17 =	simm.s32 $0x300  }
0x7: {  	s18 =	simm.s32 $0x180;
	s19 =	simm.s32 $0x380;
	s20 =	simm.s32 $0x2  }
0x8: {  	s21 =	simm.s32 $0x400;
	s22 =	simm.s32 $0x600;
	s23 =	simm.s32 $0x480  }
0x9: {  	s24 =	simm.s32 $0x680;
	s25 =	simm.s32 $0x500;
	s26 =	simm.s32 $0x700  }
0xa: {  	s28 =	simm.s32 $0x580;
	s29 =	simm.s32 $0x780;
	s30 =	simm.s32 $0x1  }
0xb: {  	s31 =	simm.s32 $0x3;
	[smem:$0x7FF] =	sst s2;
	s4 =	sand.u32 $0x1, s4  }
0xc: {  	s6 =	sshll.u32 s1, $0x7;
	s5 =	ssub.s32 $0x2, s4;
	s4 =	sshll.u32 s4, $0x6  }
0xd: {  	s3 =	sadd.s32 $0x800, s3;
	s7 =	sshrl.u32 s5, $0x1;
	s12 =	sor.u32 s4, s6  }
0xe: {  	_ =	strace $0x80000047;
	s13 =	ssub.s32 s5, s7;
	s4 =	sadd.s32 s9, s12  }
0xf: {  	s6 =	sor.u32 $0x10, s12;
	s8 =	sor.u32 $0x20, s12;
	s14 =	sor.u32 $0x30, s12  }
0x10: {  	s11 =	sadd.s32 s11, s12;
	[dreg:$0x5] =	wrdreg s4;
	s4 =	sadd.s32 s10, s12  }
0x11: {  	s5 =	sadd.s32 s9, s6;
	s6 =	sadd.s32 s10, s6;
	s7 =	sadd.s32 s9, s8  }
0x12: {  	s8 =	sadd.s32 s10, s8;
	s9 =	sadd.s32 s9, s14;
	s10 =	sadd.s32 s10, s14  }
0x13: {  	s12 =	smax.u32 s13, $0x1;
	s13 =	simm.s32 $0x200;
	s14 =	simm.s32 $0x80  }
.LBB2_1:
0x14: {  	s0 =	rddreg [dreg:$0x5]  }
0x15: {  	[tilespmem:s2], [sflag:$0x2] =	stream.linear.gather [hbm4b:s0+s2], $0x80, $0x38;
	[tilespmem:$0x800] =	vst v63  }
0x16: {  	_ = 	snop  }
0x17: {  	[tilespmem:s13], [sflag:$0x2] =	stream.linear.gather [hbm4b:s4+s2], $0x80, $0x38;
	[tilespmem:$0x800] =	vst v63  }
0x18: {  	_ = 	snop  }
0x19: {  	[tilespmem:s14], [sflag:$0x2] =	stream.linear.gather [hbm4b:s5+s2], $0x80, $0x38;
	[tilespmem:$0x800] =	vst v63  }
0x1a: {  	_ = 	snop  }
0x1b: {  	[tilespmem:s15], [sflag:$0x2] =	stream.linear.gather [hbm4b:s6+s2], $0x80, $0x38;
	[tilespmem:$0x800] =	vst v63  }
0x1c: {  	_ = 	snop  }
0x1d: {  	[tilespmem:s16], [sflag:$0x2] =	stream.linear.gather [hbm4b:s7+s2], $0x80, $0x38;
	[tilespmem:$0x800] =	vst v63  }
0x1e: {  	_ = 	snop  }
0x1f: {  	[tilespmem:s17], [sflag:$0x2] =	stream.linear.gather [hbm4b:s8+s2], $0x80, $0x38;
	[tilespmem:$0x800] =	vst v63  }
0x20: {  	_ = 	snop  }
0x21: {  	[tilespmem:s18], [sflag:$0x2] =	stream.linear.gather [hbm4b:s9+s2], $0x80, $0x38;
	[tilespmem:$0x800] =	vst v63  }
0x22: {  	_ = 	snop  }
0x23: {  	[tilespmem:s19], [sflag:$0x2] =	stream.linear.gather [hbm4b:s10+s2], $0x80, $0x38;
	[tilespmem:$0x800] =	vst v63  }
0x24: {  	_ =	swait.ge [sflag:s20], $0x80  }
0x25: {  	[sflag:s20] =	ssyncset.done $0x0  }
0x26: {  	[sflag:s20] =	ssyncadd.s32 $0xFFFFFF80  }
0x27: {  	_ =	swait.ge [sflag:s20], $0x80  }
0x28: {  	[sflag:s20] =	ssyncset.done $0x0  }
0x29: {  	[sflag:s20] =	ssyncadd.s32 $0xFFFFFF80  }
0x2a: {  	_ =	swait.ge [sflag:s20], $0x80  }
0x2b: {  	[sflag:s20] =	ssyncset.done $0x0  }
0x2c: {  	[sflag:s20] =	ssyncadd.s32 $0xFFFFFF80  }
0x2d: {  	_ =	swait.ge [sflag:s20], $0x80  }
0x2e: {  	[sflag:s20] =	ssyncset.done $0x0  }
0x2f: {  	[sflag:s20] =	ssyncadd.s32 $0xFFFFFF80  }
0x30: {  	_ =	swait.ge [sflag:s20], $0x80  }
0x31: {  	[sflag:s20] =	ssyncset.done $0x0  }
0x32: {  	[sflag:s20] =	ssyncadd.s32 $0xFFFFFF80  }
0x33: {  	_ =	swait.ge [sflag:s20], $0x80  }
0x34: {  	[sflag:s20] =	ssyncset.done $0x0  }
0x35: {  	[sflag:s20] =	ssyncadd.s32 $0xFFFFFF80  }
0x36: {  	_ =	swait.ge [sflag:s20], $0x80  }
0x37: {  	[sflag:s20] =	ssyncset.done $0x0  }
0x38: {  	[sflag:s20] =	ssyncadd.s32 $0xFFFFFF80  }
0x39: {  	_ =	swait.ge [sflag:s20], $0x80  }
0x3a: {  	[sflag:s20] =	ssyncset.done $0x0  }
0x3b: {  	[sflag:s20] =	ssyncadd.s32 $0xFFFFFF80  }
0x3c: {  	v0 =	vld [tilespmem:$0x200]  }
0x3d: {  	v1 =	vld [tilespmem:$0x0]  }
0x3e: {  	v2 =	vld [tilespmem:$0x210]  }
0x3f: {  	v3 =	vld [tilespmem:$0x10]  }
0x40: {  	v4 =	vld [tilespmem:$0x220]  }
0x41: {  	v6 =	vld [tilespmem:$0x20]  }
0x42: {  	v7 =	vld [tilespmem:$0x230]  }
0x43: {  	v8 =	vld [tilespmem:$0x30]  }
0x44: {  	v9 =	vld [tilespmem:$0x240]  }
0x45: {  	v10 =	vld [tilespmem:$0x250]  }
0x46: {  	v11 =	vld [tilespmem:$0x260]  }
0x47: {  	v44 =	vld [tilespmem:$0x60];
	v5 =	vshll.u32 v0, $0xA;
	v1 =	vshll.u32 v1, $0x7  }
0x48: {  	v12 =	vld [tilespmem:$0x270];
	v36 =	vshll.u32 v2, $0xA;
	v0 =	vand.u32 $0x7F, v0;
	v3 =	vshll.u32 v3, $0x7  }
0x49: {  	v38 =	vshll.u32 v4, $0xA;
	v2 =	vand.u32 $0x7F, v2;
	v6 =	vshll.u32 v6, $0x7  }
0x4a: {  	v46 =	vld [tilespmem:$0x70];
	v41 =	vshll.u32 v7, $0xA;
	v4 =	vand.u32 $0x7F, v4;
	v8 =	vshll.u32 v8, $0x7  }
0x4b: {  	v39 =	vld [tilespmem:$0x40];
	v43 =	vshll.u32 v9, $0xA;
	v7 =	vand.u32 $0x7F, v7;
	v45 =	vshll.u32 v10, $0xA  }
0x4c: {  	v42 =	vld [tilespmem:$0x50];
	v47 =	vand.u32 $0x7F, v9;
	v49 =	vshll.u32 v11, $0xA;
	v50 =	vand.u32 $0x7F, v10  }
0x4d: {  	v51 =	vshll.u32 v44, $0x7;
	v53 =	vshll.u32 v12, $0xA;
	v5 =	vand.u32 $0xFFFE0000, v5  }
0x4e: {  	v54 =	vand.u32 $0x7F, v11;
	v1 =	vadd.s32 v1, v5;
	v5 =	vand.u32 $0xFFFE0000, v36  }
0x4f: {  	v55 =	vshll.u32 v46, $0x7;
	v0 =	vor.u32 v0, v1;
	v37 =	vadd.s32 v3, v5  }
0x50: {  	v3 =	vand.u32 $0xFFFE0000, v38;
	v5 =	vshll.u32 v39, $0x7;
	v1 =	vor.u32 v2, v37  }
0x51: {  	v40 =	vadd.s32 v6, v3;
	v3 =	vand.u32 $0xFFFE0000, v41;
	[tilespmem:$0x400] =	vst v0;
	v6 =	vshll.u32 v42, $0x7  }
0x52: {  	v2 =	vor.u32 v4, v40;
	v3 =	vadd.s32 v8, v3;
	v4 =	vand.u32 $0xFFFE0000, v43;
	[tilespmem:$0x410] =	vst v1  }
0x53: {  	v3 =	vor.u32 v7, v3;
	v4 =	vadd.s32 v5, v4;
	v5 =	vand.u32 $0xFFFE0000, v45;
	[tilespmem:$0x420] =	vst v2  }
0x54: {  	v0 =	vor.u32 v47, v4;
	v48 =	vadd.s32 v6, v5;
	v4 =	vand.u32 $0xFFFE0000, v49;
	[tilespmem:$0x430] =	vst v3  }
0x55: {  	v3 =	vand.u32 $0xFFFE0000, v53;
	v1 =	vor.u32 v50, v48;
	v52 =	vadd.s32 v51, v4;
	[tilespmem:$0x440] =	vst v0  }
0x56: {  	v57 =	vand.u32 $0x7F, v12;
	v56 =	vadd.s32 v55, v3;
	[tilespmem:$0x450] =	vst v1;
	v0 =	vor.u32 v54, v52  }
0x57: {  	v58 =	vor.u32 v57, v56;
	[tilespmem:$0x460] =	vst v0  }
0x58: {  	[tilespmem:$0x470] =	vst v58  }
0x59: {  	[tilespmem:s22], [sflag:$0x1] =	stream.indirect.gather [hbm4b:s3+s14], $0x1, s21, s14, $0xb8;
	[tilespmem:$0x800] =	vst v63  }
0x5a: {  	v59 =	vld [tilespmem:$0x280]  }
0x5b: {  	v60 =	vld [tilespmem:$0x80]  }
0x5c: {  	v61 =	vld [tilespmem:$0x290]  }
0x5d: {  	v62 =	vld [tilespmem:$0x90]  }
0x5e: {  	v63 =	vld [tilespmem:$0x2A0]  }
0x5f: {  	v12 =	vld [tilespmem:$0xA0]  }
0x60: {  	v13 =	vld [tilespmem:$0x2B0]  }
0x61: {  	v15 =	vld [tilespmem:$0xB0]  }
0x62: {  	v16 =	vld [tilespmem:$0x2C0]  }
0x63: {  	v20 =	vld [tilespmem:$0x2D0]  }
0x64: {  	v24 =	vld [tilespmem:$0x2E0]  }
0x65: {  	v26 =	vld [tilespmem:$0xE0];
	v11 =	vshll.u32 v59, $0xA;
	v1 =	vshll.u32 v60, $0x7  }
0x66: {  	v27 =	vld [tilespmem:$0x2F0];
	v14 =	vshll.u32 v61, $0xA;
	v0 =	vand.u32 $0x7F, v59;
	v3 =	vshll.u32 v62, $0x7  }
0x67: {  	v18 =	vshll.u32 v63, $0xA;
	v2 =	vand.u32 $0x7F, v61;
	v6 =	vshll.u32 v12, $0x7  }
0x68: {  	v29 =	vld [tilespmem:$0xF0];
	v22 =	vshll.u32 v13, $0xA;
	v4 =	vand.u32 $0x7F, v63;
	v8 =	vshll.u32 v15, $0x7  }
0x69: {  	v19 =	vld [tilespmem:$0xC0];
	v25 =	vshll.u32 v16, $0xA;
	v7 =	vand.u32 $0x7F, v13;
	v28 =	vshll.u32 v20, $0xA  }
0x6a: {  	v23 =	vld [tilespmem:$0xD0];
	v30 =	vand.u32 $0x7F, v16;
	v32 =	vshll.u32 v24, $0xA;
	v33 =	vand.u32 $0x7F, v20  }
0x6b: {  	v34 =	vshll.u32 v26, $0x7;
	v36 =	vshll.u32 v27, $0xA;
	v5 =	vand.u32 $0xFFFE0000, v11  }
0x6c: {  	v37 =	vand.u32 $0x7F, v24;
	v1 =	vadd.s32 v1, v5;
	v5 =	vand.u32 $0xFFFE0000, v14  }
0x6d: {  	v38 =	vshll.u32 v29, $0x7;
	v0 =	vor.u32 v0, v1;
	v17 =	vadd.s32 v3, v5  }
0x6e: {  	v3 =	vand.u32 $0xFFFE0000, v18;
	v5 =	vshll.u32 v19, $0x7;
	v1 =	vor.u32 v2, v17  }
0x6f: {  	v21 =	vadd.s32 v6, v3;
	v3 =	vand.u32 $0xFFFE0000, v22;
	[tilespmem:$0x480] =	vst v0;
	v6 =	vshll.u32 v23, $0x7  }
0x70: {  	v2 =	vor.u32 v4, v21;
	v3 =	vadd.s32 v8, v3;
	v4 =	vand.u32 $0xFFFE0000, v25;
	[tilespmem:$0x490] =	vst v1  }
0x71: {  	v3 =	vor.u32 v7, v3;
	v4 =	vadd.s32 v5, v4;
	v5 =	vand.u32 $0xFFFE0000, v28;
	[tilespmem:$0x4A0] =	vst v2  }
0x72: {  	v0 =	vor.u32 v30, v4;
	v31 =	vadd.s32 v6, v5;
	v4 =	vand.u32 $0xFFFE0000, v32;
	[tilespmem:$0x4B0] =	vst v3  }
0x73: {  	v3 =	vand.u32 $0xFFFE0000, v36;
	v1 =	vor.u32 v33, v31;
	v35 =	vadd.s32 v34, v4;
	[tilespmem:$0x4C0] =	vst v0  }
0x74: {  	v40 =	vand.u32 $0x7F, v27;
	v39 =	vadd.s32 v38, v3;
	[tilespmem:$0x4D0] =	vst v1;
	v0 =	vor.u32 v37, v35  }
0x75: {  	v41 =	vor.u32 v40, v39;
	[tilespmem:$0x4E0] =	vst v0  }
0x76: {  	[tilespmem:$0x4F0] =	vst v41  }
0x77: {  	[tilespmem:s24], [sflag:$0x1] =	stream.indirect.gather [hbm4b:s3+s14], $0x1, s23, s14, $0xb8;
	[tilespmem:$0x800] =	vst v63  }
0x78: {  	v42 =	vld [tilespmem:$0x300]  }
0x79: {  	v43 =	vld [tilespmem:$0x100]  }
0x7a: {  	v44 =	vld [tilespmem:$0x310]  }
0x7b: {  	v45 =	vld [tilespmem:$0x110]  }
0x7c: {  	v46 =	vld [tilespmem:$0x320]  }
0x7d: {  	v48 =	vld [tilespmem:$0x120]  }
0x7e: {  	v49 =	vld [tilespmem:$0x330]  }
0x7f: {  	v51 =	vld [tilespmem:$0x130]  }
0x80: {  	v52 =	vld [tilespmem:$0x340]  }
0x81: {  	v56 =	vld [tilespmem:$0x350]  }
0x82: {  	v60 =	vld [tilespmem:$0x360]  }
0x83: {  	v62 =	vld [tilespmem:$0x160];
	v47 =	vshll.u32 v42, $0xA;
	v1 =	vshll.u32 v43, $0x7  }
0x84: {  	v63 =	vld [tilespmem:$0x370];
	v50 =	vshll.u32 v44, $0xA;
	v0 =	vand.u32 $0x7F, v42;
	v3 =	vshll.u32 v45, $0x7  }
0x85: {  	v54 =	vshll.u32 v46, $0xA;
	v2 =	vand.u32 $0x7F, v44;
	v6 =	vshll.u32 v48, $0x7  }
0x86: {  	v15 =	vld [tilespmem:$0x170];
	v58 =	vshll.u32 v49, $0xA;
	v4 =	vand.u32 $0x7F, v46;
	v8 =	vshll.u32 v51, $0x7  }
0x87: {  	v55 =	vld [tilespmem:$0x140];
	v61 =	vshll.u32 v52, $0xA;
	v7 =	vand.u32 $0x7F, v49;
	v14 =	vshll.u32 v56, $0xA  }
0x88: {  	v59 =	vld [tilespmem:$0x150];
	v16 =	vand.u32 $0x7F, v52;
	v18 =	vshll.u32 v60, $0xA;
	v19 =	vand.u32 $0x7F, v56  }
0x89: {  	v20 =	vshll.u32 v62, $0x7;
	v22 =	vshll.u32 v63, $0xA;
	v5 =	vand.u32 $0xFFFE0000, v47  }
0x8a: {  	v23 =	vand.u32 $0x7F, v60;
	v1 =	vadd.s32 v1, v5;
	v5 =	vand.u32 $0xFFFE0000, v50  }
0x8b: {  	v24 =	vshll.u32 v15, $0x7;
	v0 =	vor.u32 v0, v1;
	v53 =	vadd.s32 v3, v5  }
0x8c: {  	v3 =	vand.u32 $0xFFFE0000, v54;
	v5 =	vshll.u32 v55, $0x7;
	v1 =	vor.u32 v2, v53  }
0x8d: {  	v57 =	vadd.s32 v6, v3;
	v3 =	vand.u32 $0xFFFE0000, v58;
	[tilespmem:$0x500] =	vst v0;
	v6 =	vshll.u32 v59, $0x7  }
0x8e: {  	v2 =	vor.u32 v4, v57;
	v3 =	vadd.s32 v8, v3;
	v4 =	vand.u32 $0xFFFE0000, v61;
	[tilespmem:$0x510] =	vst v1  }
0x8f: {  	v3 =	vor.u32 v7, v3;
	v4 =	vadd.s32 v5, v4;
	v5 =	vand.u32 $0xFFFE0000, v14;
	[tilespmem:$0x520] =	vst v2  }
0x90: {  	v0 =	vor.u32 v16, v4;
	v17 =	vadd.s32 v6, v5;
	v4 =	vand.u32 $0xFFFE0000, v18;
	[tilespmem:$0x530] =	vst v3  }
0x91: {  	v3 =	vand.u32 $0xFFFE0000, v22;
	v1 =	vor.u32 v19, v17;
	v21 =	vadd.s32 v20, v4;
	[tilespmem:$0x540] =	vst v0  }
0x92: {  	v26 =	vand.u32 $0x7F, v63;
	v25 =	vadd.s32 v24, v3;
	[tilespmem:$0x550] =	vst v1;
	v0 =	vor.u32 v23, v21  }
0x93: {  	v27 =	vor.u32 v26, v25;
	[tilespmem:$0x560] =	vst v0  }
0x94: {  	[tilespmem:$0x570] =	vst v27  }
0x95: {  	[tilespmem:s26], [sflag:$0x1] =	stream.indirect.gather [hbm4b:s3+s14], $0x1, s25, s14, $0xb8;
	[tilespmem:$0x800] =	vst v63  }
0x96: {  	v28 =	vld [tilespmem:$0x380]  }
0x97: {  	v29 =	vld [tilespmem:$0x180]  }
0x98: {  	v30 =	vld [tilespmem:$0x390]  }
0x99: {  	v31 =	vld [tilespmem:$0x190]  }
0x9a: {  	v32 =	vld [tilespmem:$0x3A0]  }
0x9b: {  	v34 =	vld [tilespmem:$0x1A0]  }
0x9c: {  	v35 =	vld [tilespmem:$0x3B0]  }
0x9d: {  	v37 =	vld [tilespmem:$0x1B0]  }
0x9e: {  	v38 =	vld [tilespmem:$0x3C0]  }
0x9f: {  	v42 =	vld [tilespmem:$0x3D0]  }
0xa0: {  	v46 =	vld [tilespmem:$0x3E0]  }
0xa1: {  	v48 =	vld [tilespmem:$0x1E0];
	v33 =	vshll.u32 v28, $0xA;
	v1 =	vshll.u32 v29, $0x7  }
0xa2: {  	v49 =	vld [tilespmem:$0x3F0];
	v36 =	vshll.u32 v30, $0xA;
	v0 =	vand.u32 $0x7F, v28;
	v3 =	vshll.u32 v31, $0x7  }
0xa3: {  	v40 =	vshll.u32 v32, $0xA;
	v2 =	vand.u32 $0x7F, v30;
	v6 =	vshll.u32 v34, $0x7  }
0xa4: {  	v51 =	vld [tilespmem:$0x1F0];
	v44 =	vshll.u32 v35, $0xA;
	v4 =	vand.u32 $0x7F, v32;
	v8 =	vshll.u32 v37, $0x7  }
0xa5: {  	v41 =	vld [tilespmem:$0x1C0];
	v47 =	vshll.u32 v38, $0xA;
	v7 =	vand.u32 $0x7F, v35;
	v50 =	vshll.u32 v42, $0xA  }
0xa6: {  	v45 =	vld [tilespmem:$0x1D0];
	v52 =	vand.u32 $0x7F, v38;
	v54 =	vshll.u32 v46, $0xA;
	v55 =	vand.u32 $0x7F, v42  }
0xa7: {  	v56 =	vshll.u32 v48, $0x7;
	v58 =	vshll.u32 v49, $0xA;
	v5 =	vand.u32 $0xFFFE0000, v33  }
0xa8: {  	v59 =	vand.u32 $0x7F, v46;
	v1 =	vadd.s32 v1, v5;
	v5 =	vand.u32 $0xFFFE0000, v36  }
0xa9: {  	v60 =	vshll.u32 v51, $0x7;
	v0 =	vor.u32 v0, v1;
	v39 =	vadd.s32 v3, v5  }
0xaa: {  	v3 =	vand.u32 $0xFFFE0000, v40;
	v5 =	vshll.u32 v41, $0x7;
	v1 =	vor.u32 v2, v39  }
0xab: {  	v43 =	vadd.s32 v6, v3;
	v3 =	vand.u32 $0xFFFE0000, v44;
	[tilespmem:$0x580] =	vst v0;
	v6 =	vshll.u32 v45, $0x7  }
0xac: {  	v2 =	vor.u32 v4, v43;
	v3 =	vadd.s32 v8, v3;
	v4 =	vand.u32 $0xFFFE0000, v47;
	[tilespmem:$0x590] =	vst v1  }
0xad: {  	v3 =	vor.u32 v7, v3;
	v4 =	vadd.s32 v5, v4;
	v5 =	vand.u32 $0xFFFE0000, v50;
	[tilespmem:$0x5A0] =	vst v2  }
0xae: {  	v0 =	vor.u32 v52, v4;
	v53 =	vadd.s32 v6, v5;
	v4 =	vand.u32 $0xFFFE0000, v54;
	[tilespmem:$0x5B0] =	vst v3  }
0xaf: {  	v3 =	vand.u32 $0xFFFE0000, v58;
	v1 =	vor.u32 v55, v53;
	v57 =	vadd.s32 v56, v4;
	[tilespmem:$0x5C0] =	vst v0  }
0xb0: {  	v62 =	vand.u32 $0x7F, v49;
	v61 =	vadd.s32 v60, v3;
	[tilespmem:$0x5D0] =	vst v1;
	v0 =	vor.u32 v59, v57  }
0xb1: {  	v63 =	vor.u32 v62, v61;
	[tilespmem:$0x5E0] =	vst v0  }
0xb2: {  	[tilespmem:$0x5F0] =	vst v63  }
0xb3: {  	[tilespmem:s29], [sflag:$0x1] =	stream.indirect.gather [hbm4b:s3+s14], $0x1, s28, s14, $0xb8;
	[tilespmem:$0x800] =	vst v63  }
0xb4: {  	_ =	swait.ge [sflag:s30], $0x80  }
0xb5: {  	[sflag:s30] =	ssyncset.done $0x0  }
0xb6: {  	[sflag:s30] =	ssyncadd.s32 $0xFFFFFF80  }
0xb7: {  	_ =	swait.ge [sflag:s30], $0x80  }
0xb8: {  	[sflag:s30] =	ssyncset.done $0x0  }
0xb9: {  	[sflag:s30] =	ssyncadd.s32 $0xFFFFFF80  }
0xba: {  	_ =	swait.ge [sflag:s30], $0x80  }
0xbb: {  	[sflag:s30] =	ssyncset.done $0x0  }
0xbc: {  	[sflag:s30] =	ssyncadd.s32 $0xFFFFFF80  }
0xbd: {  	_ =	swait.ge [sflag:s30], $0x80  }
0xbe: {  	p0 =	sne.s32 s12, $0x1;
	[sflag:s30] =	ssyncset.done $0x0  }
.Ltmp0:
0xbf: {  	[sflag:s30] =	ssyncadd.s32 $0xFFFFFF80;
	(pc) =	sbr.rel @p0 .LBB2_1-.Ltmp0, $4  }
0xc0: {  	[hbm4b:s11+s2] =	stream.linear.scatter [tilespmem:s22], [sflag:$0x3], $0x200, $0x38;
	[tilespmem:$0x800] =	vst v63  }
0xc1: {  	_ =	swait.ge [sflag:s31], $0x200  }
0xc2: {  	[sflag:s31] =	ssyncset.done $0x0  }
0xc3: {  	s12 =	sadd.s32 $0xFFFFFFFF, s12;
	[sflag:s31] =	ssyncadd.s32 $0xFFFFFE00  }
0xc4: {  	_ =	sfence.sel $0x180000  }
0xc5: {  	[bflag:$0x0] =	sbarrier.arrive $0xFFFF  }
0xc6: {  	_ =	strace $0x90000047  }
0xc7: {  	[bflag:$0x2] =	sbarrier.arrive $0xFFFF  }
0xc8: {  	p0 =	sne.s32 s1, $0x0;
	s0 =	rddreg [dreg:$0x4]  }
0xc9: {  	s0 =	sadd.s32 @!p0 $0x100000, s0  }
0xca: {  	[sflag:s0] =	ssyncadd.tile.s32 @!p0 $0x1;
	_ =	shalt  }
.Lfunc_end2:
_tile_overlayer_lowered:
.L_overlay_start_2:
0xcb: {  	(tag) =	ssettag $0x2  }
0xcc: {  	s0 =	rddreg [dreg:$0x0];
	s2 =	stileid.u32  }
0xcd: {  	s1 =	rddreg [dreg:$0x1];
	p0 =	sne.s32 s2, $0x0  }
0xce: {  	s3 =	rddreg [dreg:$0x2];
	[bflag:$0x3] =	sbarrier.arrive $0xFFFF;
	s2 =	simm.s32 @!p0 $0x1C03  }
0xcf: {  	[timem:s3], [sflag:s2] =	dma.local @!p0 [hbm:s0], s1  }
0xd0: {  	s0 =	simm.s32 @!p0 $0x3  }
0xd1: {  	_ =	swait.ge @!p0 [sflag:s0], s1  }
0xd2: {  	s1 =	ssub.s32 @!p0 $0x0, s1;
	[sflag:s0] =	ssyncset.done @!p0 $0x0  }
0xd3: {  	[sflag:s0] =	ssyncadd.s32 @!p0 s1  }
0xd4: {  	[bflag:$0x3] =	sbarrier.arrive $0xFFFF  }
0xd5: {  	_ =	shalt  }

</sc_bundles>
